<compile_context>
chip_gen: v7x
topology: tpu7x:2x2x1
jax: 0.10.2.dev20260603
libtpu: 0.0.44.dev20260713+nightly
codegen_flags: <defaults>
</compile_context>

<pallas_src>
import functools

import jax
import jax.numpy as jnp
from jax import lax
from jax.experimental import pallas as pl
from jax.experimental.pallas import tpu as pltpu
from jax.experimental.pallas import tpu_sc as plsc

_NUM_EXAMP = 1000000
_NUM_CLASSES = 32
_BATCH = 16384
_LAMBDA_REG = 3.0
_BETA = 0.7

_NC = 2
_NS = 16
_NW = _NC * _NS
_BPW = _BATCH // _NW
_CHUNK = 128
_K = _BPW // _CHUNK
_PW = 128


@functools.cache
def _sc_kernels():
    mesh = plsc.VectorSubcoreMesh(core_axis_name="c", subcore_axis_name="s")
    scratch = [
        pltpu.VMEM((_K, _CHUNK), jnp.int32),
        pltpu.VMEM((_BPW, _PW), jnp.float32),
        pltpu.SemaphoreType.DMA,
    ]

    @functools.partial(
        pl.kernel,
        out_type=jax.ShapeDtypeStruct((_BATCH, _PW), jnp.float32),
        mesh=mesh,
        scratch_types=scratch,
    )
    def sc_gather(p_ref_hbm, idx_hbm, out_hbm, idx_v, rows_v, sem):
        wid = lax.axis_index("s") * _NC + lax.axis_index("c")
        pltpu.sync_copy(idx_hbm.at[pl.ds(wid * _K, _K)], idx_v)
        handles = []
        for j in range(_K):
            handles.append(
                pltpu.async_copy(
                    p_ref_hbm.at[idx_v.at[j]],
                    rows_v.at[pl.ds(j * _CHUNK, _CHUNK)],
                    sem,
                )
            )
        for h in handles:
            h.wait()
        pltpu.sync_copy(rows_v, out_hbm.at[pl.ds(wid * _BPW, _BPW)])

    @functools.partial(
        pl.kernel,
        out_type=(),
        mesh=mesh,
        scratch_types=scratch,
    )
    def sc_scatter(p_ref_hbm, idx_hbm, rows_hbm, idx_v, rows_v, sem):
        wid = lax.axis_index("s") * _NC + lax.axis_index("c")
        pltpu.sync_copy(idx_hbm.at[pl.ds(wid * _K, _K)], idx_v)
        pltpu.sync_copy(rows_hbm.at[pl.ds(wid * _BPW, _BPW)], rows_v)
        handles = []
        for j in range(_K):
            handles.append(
                pltpu.async_copy(
                    rows_v.at[pl.ds(j * _CHUNK, _CHUNK)],
                    p_ref_hbm.at[idx_v.at[j]],
                    sem,
                )
            )
        for h in handles:
            h.wait()

    return sc_gather, sc_scatter


_BB = 2048
_GRID = _BATCH // _BB

_PB = 8192
_PGRID = -(-_NUM_EXAMP // _PB)


def _padt_body(tt_ref, p_ref):
    x = tt_ref[...]
    p_ref[:, 0:_NUM_CLASSES] = x.T
    p_ref[:, _NUM_CLASSES:_PW] = jnp.zeros((_PB, _PW - _NUM_CLASSES), jnp.float32)


_padt = pl.pallas_call(
    _padt_body,
    grid=(_PGRID,),
    in_specs=[pl.BlockSpec((_NUM_CLASSES, _PB), lambda i: (0, i))],
    out_specs=pl.BlockSpec((_PB, _PW), lambda i: (i, 0)),
    out_shape=jax.ShapeDtypeStruct((_NUM_EXAMP, _PW), jnp.float32),
)


def _dense_body(out_ref, lab_ref, grp_ref, newrows_ref, loss_ref, ce_acc, reg_acc):
    i = pl.program_id(0)
    o = out_ref[...]
    m = jnp.max(o, axis=1, keepdims=True)
    e = jnp.exp(o - m)
    s = jnp.sum(e, axis=1, keepdims=True)
    y = jnp.clip(e / s, 0.0001, 1.0 - 0.0001)
    logp = (o - m) - jnp.log(s)
    lab = lab_ref[...]
    onehot = lab == lax.broadcasted_iota(jnp.int32, (_BB, _NUM_CLASSES), 1)
    ce_blk = jnp.sum(jnp.where(onehot, logp, 0.0))
    avg = grp_ref[:, 0:_NUM_CLASSES]
    dot = jnp.sum(avg * y, axis=1, keepdims=True)
    reg_blk = jnp.sum(jnp.log(1.0 - dot))
    newrows_ref[:, 0:_NUM_CLASSES] = _BETA * avg + (1.0 - _BETA) * y
    newrows_ref[:, _NUM_CLASSES:_PW] = jnp.zeros((_BB, _PW - _NUM_CLASSES),
                                                 jnp.float32)

    @pl.when(i == 0)
    def _():
        ce_acc[0, 0] = 0.0
        reg_acc[0, 0] = 0.0

    ce_acc[0, 0] += ce_blk
    reg_acc[0, 0] += reg_blk
    inv_b = 1.0 / _BATCH
    loss_ref[0, 0] = -ce_acc[0, 0] * inv_b + _LAMBDA_REG * reg_acc[0, 0] * inv_b


_dense = pl.pallas_call(
    _dense_body,
    grid=(_GRID,),
    in_specs=[
        pl.BlockSpec((_BB, _NUM_CLASSES), lambda i: (i, 0)),
        pl.BlockSpec((_BB, 1), lambda i: (i, 0)),
        pl.BlockSpec((_BB, _PW), lambda i: (i, 0)),
    ],
    out_specs=[
        pl.BlockSpec((_BB, _PW), lambda i: (i, 0)),
        pl.BlockSpec(memory_space=pltpu.SMEM),
    ],
    out_shape=[
        jax.ShapeDtypeStruct((_BATCH, _PW), jnp.float32),
        jax.ShapeDtypeStruct((1, 1), jnp.float32),
    ],
    scratch_shapes=[
        pltpu.SMEM((1, 1), jnp.float32),
        pltpu.SMEM((1, 1), jnp.float32),
    ],
)


def kernel(index, output, label, target):
    sc_gather, sc_scatter = _sc_kernels()
    idx2 = index.astype(jnp.int32).reshape(_BATCH // _CHUNK, _CHUNK)
    p = _padt(target.T)
    p_ref = jax.new_ref(p)
    y_grp = sc_gather(p_ref, idx2)
    new_rows, loss2 = _dense(output, label.astype(jnp.int32).reshape(_BATCH, 1),
                             y_grp)
    sc_scatter(p_ref, idx2, new_rows)
    new_target = jax.freeze(p_ref)[:, 0:_NUM_CLASSES]
    return loss2[0, 0], new_target

# --- scband reference (transcript-rebuilt; emitter-appended) ---
"""Pipeline reference for scband-elrloss-30331059044550 (READ-ONLY COPY).

The authoritative reference and input builder live on the scoring server;
editing this copy changes nothing except your own understanding.
"""

import jax, jax.numpy as jnp
import numpy as np

NUM_EXAMP = 1000000
NUM_CLASSES = 32
BATCH = 16384
LAMBDA_REG = 3.0
BETA = 0.7


def setup_inputs(seed: int = 0) -> dict:
    key = jax.random.key(seed)
    k1, k2, k3, k4 = jax.random.split(key, 4)
    index = jax.random.randint(k1, (BATCH,), 0, NUM_EXAMP)
    output = jax.random.normal(k2, (BATCH, NUM_CLASSES), dtype=jnp.float32)
    label = jax.random.randint(k3, (BATCH,), 0, NUM_CLASSES)
    # self.target buffer (running average of predictions). Module inits zeros;
    # use a row-normalized random state so elr_reg is non-degenerate.
    t = jax.random.uniform(k4, (NUM_EXAMP, NUM_CLASSES), dtype=jnp.float32)
    target = t / jnp.sum(t, axis=1, keepdims=True)
    return {"index": index, "output": output, "label": label, "target": target}


def reference(index, output, label, target):
    # y_pred = softmax(output), clamped
    y_pred = jax.nn.softmax(output, axis=1)
    y_pred = jnp.clip(y_pred, 0.0001, 1.0 - 0.0001)
    # cross entropy (mean reduction), like F.cross_entropy
    logp = jax.nn.log_softmax(output, axis=1)
    ce_loss = -jnp.mean(jnp.take_along_axis(logp, label[:, None], axis=1))
    # gather running-average targets for this batch (memory-bound gather)
    y_pred_avg = jnp.take(target, index, axis=0)
    elr_reg = jnp.mean(jnp.log(1.0 - jnp.sum(y_pred_avg * y_pred, axis=1)))
    loss = ce_loss + LAMBDA_REG * elr_reg
    # stateful EMA update: scatter-overwrite rows of target (detached y_pred)
    new_rows = BETA * y_pred_avg + (1.0 - BETA) * jax.lax.stop_gradient(y_pred)
    new_target = target.at[index].set(new_rows)
    return loss, new_target

if __name__ == "__main__":
    import jax
    _d = setup_inputs()
    print(jax.jit(kernel)(*tuple(_d.values())))

</pallas_src>

<mosaic_0001>
#map = affine_map<(d0, d1) -> (0, 0)>
module attributes {stable_mosaic.version = 14 : i64} {
  func.func @new_body(%arg0: i32, %arg1: i32, %arg2: memref<1000000x128xf32, #tpu.memory_space<hbm>>, %arg3: memref<128x128xi32, #tpu.memory_space<hbm>>, %arg4: memref<16384x128xf32, #tpu.memory_space<hbm>>, %arg5: memref<1000000x128xf32, #tpu.memory_space<hbm>>, %arg6: memref<4x128xi32, #tpu.memory_space<vmem>>, %arg7: memref<512x128xf32, #tpu.memory_space<vmem>>, %arg8: memref<!tpu.dma_semaphore, #tpu.memory_space<semaphore_mem>>) attributes {dimension_semantics = [#tpu.dimension_semantics<core_parallel>, #tpu.dimension_semantics<subcore_parallel>], iteration_bounds = array<i64: 2, 16>, scalar_prefetch = 0 : i64, scratch_operands = 3 : i64, tpu.core_type = #tpu.core_type<sc_vector_subcore>, window_params = [{transform_indices = #map}, {transform_indices = #map}, {transform_indices = #map}, {transform_indices = #map}]} {
    %mul3A = arith.constant 2 : i32
    %mul3A_0 = arith.muli %arg1, %mul3A : i32
    %add3A = arith.addi %mul3A_0, %arg0 : i32
    %mul3A_1 = arith.constant 4 : i32
    %mul3A_2 = arith.muli %add3A, %mul3A_1 : i32
    "tpu.region"() ({
      %run_scoped3A = tpu.sem_alloc : memref<!tpu.dma_semaphore, #tpu.memory_space<semaphore_mem>>
      %dma_start3A_83 = arith.constant 0 : i32
      %dma_start3A_84 = tpu.memref_slice %arg3[%mul3A_2, %dma_start3A_83] : memref<128x128xi32, #tpu.memory_space<hbm>> -> memref<4x128xi32, #tpu.memory_space<hbm>>
      %dma_start3A_85 = arith.constant 0 : i32
      %dma_start3A_86 = tpu.memref_slice %arg3[%mul3A_2, %dma_start3A_85] : memref<128x128xi32, #tpu.memory_space<hbm>> -> memref<4x128xi32, #tpu.memory_space<hbm>>
      tpu.enqueue_dma source(%dma_start3A_86 : memref<4x128xi32, #tpu.memory_space<hbm>>) target(%arg6 : memref<4x128xi32, #tpu.memory_space<vmem>>) target_semaphore(%run_scoped3A : memref<!tpu.dma_semaphore, #tpu.memory_space<semaphore_mem>>)
      %dma_wait3A_87 = arith.constant 0 : i32
      %dma_wait3A_88 = tpu.memref_slice %arg3[%mul3A_2, %dma_wait3A_87] : memref<128x128xi32, #tpu.memory_space<hbm>> -> memref<4x128xi32, #tpu.memory_space<hbm>>
      %dma_wait3A_89 = arith.constant 0 : i32
      %dma_wait3A_90 = tpu.memref_slice %arg3[%mul3A_2, %dma_wait3A_89] : memref<128x128xi32, #tpu.memory_space<hbm>> -> memref<4x128xi32, #tpu.memory_space<hbm>>
      tpu.wait_dma2 semaphore(%run_scoped3A : memref<!tpu.dma_semaphore, #tpu.memory_space<semaphore_mem>>) src(%dma_wait3A_90 : memref<4x128xi32, #tpu.memory_space<hbm>>) dst(%arg6 : memref<4x128xi32, #tpu.memory_space<vmem>>)
      tpu.yield
    }) : () -> ()
    %dma_start3A = arith.constant 0 : i32
    %dma_start3A_3 = arith.constant 0 : i32
    %dma_start3A_4 = arith.constant 0 : i32
    %dma_start3A_5 = tpu.memref_slice %arg7[%dma_start3A_3, %dma_start3A_4] : memref<512x128xf32, #tpu.memory_space<vmem>> -> memref<128x128xf32, #tpu.memory_space<vmem>>
    %dma_start3A_6 = arith.constant 0 : i32
    %dma_start3A_7 = tpu.memref_slice %arg6[%dma_start3A, %dma_start3A_6] : memref<4x128xi32, #tpu.memory_space<vmem>> -> memref<1x128xi32, #tpu.memory_space<vmem>>
    %dma_start3A_8 = tpu.memref_squeeze %dma_start3A_7 : memref<1x128xi32, #tpu.memory_space<vmem>> -> memref<128xi32, #tpu.memory_space<vmem>>
    %dma_start3A_9 = arith.constant 0 : i32
    %dma_start3A_10 = arith.constant 0 : i32
    %dma_start3A_11 = tpu.memref_slice %arg2[%dma_start3A_9, %dma_start3A_10] : memref<1000000x128xf32, #tpu.memory_space<hbm>> -> memref<1000000x128xf32, #tpu.memory_space<hbm>>
    tpu.enqueue_indirect_dma source(%dma_start3A_11 : memref<1000000x128xf32, #tpu.memory_space<hbm>>) target(%dma_start3A_5 : memref<128x128xf32, #tpu.memory_space<vmem>>) offsets(%dma_start3A_8 : memref<128xi32, #tpu.memory_space<vmem>>) semaphore(%arg8 : memref<!tpu.dma_semaphore, #tpu.memory_space<semaphore_mem>>)
    %dma_start3A_12 = arith.constant 1 : i32
    %dma_start3A_13 = arith.constant 128 : i32
    %dma_start3A_14 = arith.constant 0 : i32
    %dma_start3A_15 = tpu.memref_slice %arg7[%dma_start3A_13, %dma_start3A_14] : memref<512x128xf32, #tpu.memory_space<vmem>> -> memref<128x128xf32, #tpu.memory_space<vmem>>
    %dma_start3A_16 = arith.constant 0 : i32
    %dma_start3A_17 = tpu.memref_slice %arg6[%dma_start3A_12, %dma_start3A_16] : memref<4x128xi32, #tpu.memory_space<vmem>> -> memref<1x128xi32, #tpu.memory_space<vmem>>
    %dma_start3A_18 = tpu.memref_squeeze %dma_start3A_17 : memref<1x128xi32, #tpu.memory_space<vmem>> -> memref<128xi32, #tpu.memory_space<vmem>>
    %dma_start3A_19 = arith.constant 0 : i32
    %dma_start3A_20 = arith.constant 0 : i32
    %dma_start3A_21 = tpu.memref_slice %arg2[%dma_start3A_19, %dma_start3A_20] : memref<1000000x128xf32, #tpu.memory_space<hbm>> -> memref<1000000x128xf32, #tpu.memory_space<hbm>>
    tpu.enqueue_indirect_dma source(%dma_start3A_21 : memref<1000000x128xf32, #tpu.memory_space<hbm>>) target(%dma_start3A_15 : memref<128x128xf32, #tpu.memory_space<vmem>>) offsets(%dma_start3A_18 : memref<128xi32, #tpu.memory_space<vmem>>) semaphore(%arg8 : memref<!tpu.dma_semaphore, #tpu.memory_space<semaphore_mem>>)
    %dma_start3A_22 = arith.constant 2 : i32
    %dma_start3A_23 = arith.constant 256 : i32
    %dma_start3A_24 = arith.constant 0 : i32
    %dma_start3A_25 = tpu.memref_slice %arg7[%dma_start3A_23, %dma_start3A_24] : memref<512x128xf32, #tpu.memory_space<vmem>> -> memref<128x128xf32, #tpu.memory_space<vmem>>
    %dma_start3A_26 = arith.constant 0 : i32
    %dma_start3A_27 = tpu.memref_slice %arg6[%dma_start3A_22, %dma_start3A_26] : memref<4x128xi32, #tpu.memory_space<vmem>> -> memref<1x128xi32, #tpu.memory_space<vmem>>
    %dma_start3A_28 = tpu.memref_squeeze %dma_start3A_27 : memref<1x128xi32, #tpu.memory_space<vmem>> -> memref<128xi32, #tpu.memory_space<vmem>>
    %dma_start3A_29 = arith.constant 0 : i32
    %dma_start3A_30 = arith.constant 0 : i32
    %dma_start3A_31 = tpu.memref_slice %arg2[%dma_start3A_29, %dma_start3A_30] : memref<1000000x128xf32, #tpu.memory_space<hbm>> -> memref<1000000x128xf32, #tpu.memory_space<hbm>>
    tpu.enqueue_indirect_dma source(%dma_start3A_31 : memref<1000000x128xf32, #tpu.memory_space<hbm>>) target(%dma_start3A_25 : memref<128x128xf32, #tpu.memory_space<vmem>>) offsets(%dma_start3A_28 : memref<128xi32, #tpu.memory_space<vmem>>) semaphore(%arg8 : memref<!tpu.dma_semaphore, #tpu.memory_space<semaphore_mem>>)
    %dma_start3A_32 = arith.constant 3 : i32
    %dma_start3A_33 = arith.constant 384 : i32
    %dma_start3A_34 = arith.constant 0 : i32
    %dma_start3A_35 = tpu.memref_slice %arg7[%dma_start3A_33, %dma_start3A_34] : memref<512x128xf32, #tpu.memory_space<vmem>> -> memref<128x128xf32, #tpu.memory_space<vmem>>
    %dma_start3A_36 = arith.constant 0 : i32
    %dma_start3A_37 = tpu.memref_slice %arg6[%dma_start3A_32, %dma_start3A_36] : memref<4x128xi32, #tpu.memory_space<vmem>> -> memref<1x128xi32, #tpu.memory_space<vmem>>
    %dma_start3A_38 = tpu.memref_squeeze %dma_start3A_37 : memref<1x128xi32, #tpu.memory_space<vmem>> -> memref<128xi32, #tpu.memory_space<vmem>>
    %dma_start3A_39 = arith.constant 0 : i32
    %dma_start3A_40 = arith.constant 0 : i32
    %dma_start3A_41 = tpu.memref_slice %arg2[%dma_start3A_39, %dma_start3A_40] : memref<1000000x128xf32, #tpu.memory_space<hbm>> -> memref<1000000x128xf32, #tpu.memory_space<hbm>>
    tpu.enqueue_indirect_dma source(%dma_start3A_41 : memref<1000000x128xf32, #tpu.memory_space<hbm>>) target(%dma_start3A_35 : memref<128x128xf32, #tpu.memory_space<vmem>>) offsets(%dma_start3A_38 : memref<128xi32, #tpu.memory_space<vmem>>) semaphore(%arg8 : memref<!tpu.dma_semaphore, #tpu.memory_space<semaphore_mem>>)
    %dma_wait3A = arith.constant 0 : i32
    %dma_wait3A_42 = arith.constant 0 : i32
    %dma_wait3A_43 = arith.constant 0 : i32
    %dma_wait3A_44 = tpu.memref_slice %arg7[%dma_wait3A_42, %dma_wait3A_43] : memref<512x128xf32, #tpu.memory_space<vmem>> -> memref<128x128xf32, #tpu.memory_space<vmem>>
    %dma_wait3A_45 = arith.constant 0 : i32
    %dma_wait3A_46 = tpu.memref_slice %arg6[%dma_wait3A, %dma_wait3A_45] : memref<4x128xi32, #tpu.memory_space<vmem>> -> memref<1x128xi32, #tpu.memory_space<vmem>>
    %dma_wait3A_47 = tpu.memref_squeeze %dma_wait3A_46 : memref<1x128xi32, #tpu.memory_space<vmem>> -> memref<128xi32, #tpu.memory_space<vmem>>
    %dma_wait3A_48 = arith.constant 0 : i32
    %dma_wait3A_49 = arith.constant 0 : i32
    %dma_wait3A_50 = tpu.memref_slice %arg2[%dma_wait3A_48, %dma_wait3A_49] : memref<1000000x128xf32, #tpu.memory_space<hbm>> -> memref<1000000x128xf32, #tpu.memory_space<hbm>>
    tpu.wait_indirect_dma semaphore(%arg8 : memref<!tpu.dma_semaphore, #tpu.memory_space<semaphore_mem>>) src(%dma_wait3A_50 : memref<1000000x128xf32, #tpu.memory_space<hbm>>) dst(%dma_wait3A_44 : memref<128x128xf32, #tpu.memory_space<vmem>>)
    %dma_wait3A_51 = arith.constant 1 : i32
    %dma_wait3A_52 = arith.constant 128 : i32
    %dma_wait3A_53 = arith.constant 0 : i32
    %dma_wait3A_54 = tpu.memref_slice %arg7[%dma_wait3A_52, %dma_wait3A_53] : memref<512x128xf32, #tpu.memory_space<vmem>> -> memref<128x128xf32, #tpu.memory_space<vmem>>
    %dma_wait3A_55 = arith.constant 0 : i32
    %dma_wait3A_56 = tpu.memref_slice %arg6[%dma_wait3A_51, %dma_wait3A_55] : memref<4x128xi32, #tpu.memory_space<vmem>> -> memref<1x128xi32, #tpu.memory_space<vmem>>
    %dma_wait3A_57 = tpu.memref_squeeze %dma_wait3A_56 : memref<1x128xi32, #tpu.memory_space<vmem>> -> memref<128xi32, #tpu.memory_space<vmem>>
    %dma_wait3A_58 = arith.constant 0 : i32
    %dma_wait3A_59 = arith.constant 0 : i32
    %dma_wait3A_60 = tpu.memref_slice %arg2[%dma_wait3A_58, %dma_wait3A_59] : memref<1000000x128xf32, #tpu.memory_space<hbm>> -> memref<1000000x128xf32, #tpu.memory_space<hbm>>
    tpu.wait_indirect_dma semaphore(%arg8 : memref<!tpu.dma_semaphore, #tpu.memory_space<semaphore_mem>>) src(%dma_wait3A_60 : memref<1000000x128xf32, #tpu.memory_space<hbm>>) dst(%dma_wait3A_54 : memref<128x128xf32, #tpu.memory_space<vmem>>)
    %dma_wait3A_61 = arith.constant 2 : i32
    %dma_wait3A_62 = arith.constant 256 : i32
    %dma_wait3A_63 = arith.constant 0 : i32
    %dma_wait3A_64 = tpu.memref_slice %arg7[%dma_wait3A_62, %dma_wait3A_63] : memref<512x128xf32, #tpu.memory_space<vmem>> -> memref<128x128xf32, #tpu.memory_space<vmem>>
    %dma_wait3A_65 = arith.constant 0 : i32
    %dma_wait3A_66 = tpu.memref_slice %arg6[%dma_wait3A_61, %dma_wait3A_65] : memref<4x128xi32, #tpu.memory_space<vmem>> -> memref<1x128xi32, #tpu.memory_space<vmem>>
    %dma_wait3A_67 = tpu.memref_squeeze %dma_wait3A_66 : memref<1x128xi32, #tpu.memory_space<vmem>> -> memref<128xi32, #tpu.memory_space<vmem>>
    %dma_wait3A_68 = arith.constant 0 : i32
    %dma_wait3A_69 = arith.constant 0 : i32
    %dma_wait3A_70 = tpu.memref_slice %arg2[%dma_wait3A_68, %dma_wait3A_69] : memref<1000000x128xf32, #tpu.memory_space<hbm>> -> memref<1000000x128xf32, #tpu.memory_space<hbm>>
    tpu.wait_indirect_dma semaphore(%arg8 : memref<!tpu.dma_semaphore, #tpu.memory_space<semaphore_mem>>) src(%dma_wait3A_70 : memref<1000000x128xf32, #tpu.memory_space<hbm>>) dst(%dma_wait3A_64 : memref<128x128xf32, #tpu.memory_space<vmem>>)
    %dma_wait3A_71 = arith.constant 3 : i32
    %dma_wait3A_72 = arith.constant 384 : i32
    %dma_wait3A_73 = arith.constant 0 : i32
    %dma_wait3A_74 = tpu.memref_slice %arg7[%dma_wait3A_72, %dma_wait3A_73] : memref<512x128xf32, #tpu.memory_space<vmem>> -> memref<128x128xf32, #tpu.memory_space<vmem>>
    %dma_wait3A_75 = arith.constant 0 : i32
    %dma_wait3A_76 = tpu.memref_slice %arg6[%dma_wait3A_71, %dma_wait3A_75] : memref<4x128xi32, #tpu.memory_space<vmem>> -> memref<1x128xi32, #tpu.memory_space<vmem>>
    %dma_wait3A_77 = tpu.memref_squeeze %dma_wait3A_76 : memref<1x128xi32, #tpu.memory_space<vmem>> -> memref<128xi32, #tpu.memory_space<vmem>>
    %dma_wait3A_78 = arith.constant 0 : i32
    %dma_wait3A_79 = arith.constant 0 : i32
    %dma_wait3A_80 = tpu.memref_slice %arg2[%dma_wait3A_78, %dma_wait3A_79] : memref<1000000x128xf32, #tpu.memory_space<hbm>> -> memref<1000000x128xf32, #tpu.memory_space<hbm>>
    tpu.wait_indirect_dma semaphore(%arg8 : memref<!tpu.dma_semaphore, #tpu.memory_space<semaphore_mem>>) src(%dma_wait3A_80 : memref<1000000x128xf32, #tpu.memory_space<hbm>>) dst(%dma_wait3A_74 : memref<128x128xf32, #tpu.memory_space<vmem>>)
    %mul3A_81 = arith.constant 512 : i32
    %mul3A_82 = arith.muli %add3A, %mul3A_81 : i32
    "tpu.region"() ({
      %run_scoped3A = tpu.sem_alloc : memref<!tpu.dma_semaphore, #tpu.memory_space<semaphore_mem>>
      %dma_start3A_83 = arith.constant 0 : i32
      %dma_start3A_84 = tpu.memref_slice %arg4[%mul3A_82, %dma_start3A_83] : memref<16384x128xf32, #tpu.memory_space<hbm>> -> memref<512x128xf32, #tpu.memory_space<hbm>>
      %dma_start3A_85 = arith.constant 0 : i32
      %dma_start3A_86 = tpu.memref_slice %arg4[%mul3A_82, %dma_start3A_85] : memref<16384x128xf32, #tpu.memory_space<hbm>> -> memref<512x128xf32, #tpu.memory_space<hbm>>
      tpu.enqueue_dma source(%arg7 : memref<512x128xf32, #tpu.memory_space<vmem>>) target(%dma_start3A_86 : memref<512x128xf32, #tpu.memory_space<hbm>>) target_semaphore(%run_scoped3A : memref<!tpu.dma_semaphore, #tpu.memory_space<semaphore_mem>>)
      %dma_wait3A_87 = arith.constant 0 : i32
      %dma_wait3A_88 = tpu.memref_slice %arg4[%mul3A_82, %dma_wait3A_87] : memref<16384x128xf32, #tpu.memory_space<hbm>> -> memref<512x128xf32, #tpu.memory_space<hbm>>
      %dma_wait3A_89 = arith.constant 0 : i32
      %dma_wait3A_90 = tpu.memref_slice %arg4[%mul3A_82, %dma_wait3A_89] : memref<16384x128xf32, #tpu.memory_space<hbm>> -> memref<512x128xf32, #tpu.memory_space<hbm>>
      tpu.wait_dma2 semaphore(%run_scoped3A : memref<!tpu.dma_semaphore, #tpu.memory_space<semaphore_mem>>) src(%arg7 : memref<512x128xf32, #tpu.memory_space<vmem>>) dst(%dma_wait3A_90 : memref<512x128xf32, #tpu.memory_space<hbm>>)
      tpu.yield
    }) : () -> ()
    return
  }
}

#map = affine_map<(d0, d1) -> (0, 0)>
module attributes {stable_mosaic.version = 14 : i64} {
  func.func @new_body(%arg0: i32, %arg1: i32, %arg2: memref<1000000x128xf32, #tpu.memory_space<hbm>>, %arg3: memref<128x128xi32, #tpu.memory_space<hbm>>, %arg4: memref<16384x128xf32, #tpu.memory_space<hbm>>, %arg5: memref<1000000x128xf32, #tpu.memory_space<hbm>>, %arg6: memref<4x128xi32, #tpu.memory_space<vmem>>, %arg7: memref<512x128xf32, #tpu.memory_space<vmem>>, %arg8: memref<!tpu.dma_semaphore, #tpu.memory_space<semaphore_mem>>) attributes {dimension_semantics = [#tpu.dimension_semantics<core_parallel>, #tpu.dimension_semantics<subcore_parallel>], iteration_bounds = array<i64: 2, 16>, scalar_prefetch = 0 : i64, scratch_operands = 3 : i64, tpu.core_type = #tpu.core_type<sc_vector_subcore>, window_params = [{transform_indices = #map}, {transform_indices = #map}, {transform_indices = #map}, {transform_indices = #map}]} {
    %mul3A = arith.constant 2 : i32
    %mul3A_0 = arith.muli %arg1, %mul3A : i32
    %add3A = arith.addi %mul3A_0, %arg0 : i32
    %mul3A_1 = arith.constant 4 : i32
    %mul3A_2 = arith.muli %add3A, %mul3A_1 : i32
    "tpu.region"() ({
      %run_scoped3A = tpu.sem_alloc : memref<!tpu.dma_semaphore, #tpu.memory_space<semaphore_mem>>
      %dma_start3A_83 = arith.constant 0 : i32
      %dma_start3A_84 = tpu.memref_slice %arg3[%mul3A_2, %dma_start3A_83] : memref<128x128xi32, #tpu.memory_space<hbm>> -> memref<4x128xi32, #tpu.memory_space<hbm>>
      %dma_start3A_85 = arith.constant 0 : i32
      %dma_start3A_86 = tpu.memref_slice %arg3[%mul3A_2, %dma_start3A_85] : memref<128x128xi32, #tpu.memory_space<hbm>> -> memref<4x128xi32, #tpu.memory_space<hbm>>
      tpu.enqueue_dma source(%dma_start3A_86 : memref<4x128xi32, #tpu.memory_space<hbm>>) target(%arg6 : memref<4x128xi32, #tpu.memory_space<vmem>>) target_semaphore(%run_scoped3A : memref<!tpu.dma_semaphore, #tpu.memory_space<semaphore_mem>>)
      %dma_wait3A_87 = arith.constant 0 : i32
      %dma_wait3A_88 = tpu.memref_slice %arg3[%mul3A_2, %dma_wait3A_87] : memref<128x128xi32, #tpu.memory_space<hbm>> -> memref<4x128xi32, #tpu.memory_space<hbm>>
      %dma_wait3A_89 = arith.constant 0 : i32
      %dma_wait3A_90 = tpu.memref_slice %arg3[%mul3A_2, %dma_wait3A_89] : memref<128x128xi32, #tpu.memory_space<hbm>> -> memref<4x128xi32, #tpu.memory_space<hbm>>
      tpu.wait_dma2 semaphore(%run_scoped3A : memref<!tpu.dma_semaphore, #tpu.memory_space<semaphore_mem>>) src(%dma_wait3A_90 : memref<4x128xi32, #tpu.memory_space<hbm>>) dst(%arg6 : memref<4x128xi32, #tpu.memory_space<vmem>>)
      tpu.yield
    }) : () -> ()
    %mul3A_3 = arith.constant 512 : i32
    %mul3A_4 = arith.muli %add3A, %mul3A_3 : i32
    "tpu.region"() ({
      %run_scoped3A = tpu.sem_alloc : memref<!tpu.dma_semaphore, #tpu.memory_space<semaphore_mem>>
      %dma_start3A_83 = arith.constant 0 : i32
      %dma_start3A_84 = tpu.memref_slice %arg4[%mul3A_4, %dma_start3A_83] : memref<16384x128xf32, #tpu.memory_space<hbm>> -> memref<512x128xf32, #tpu.memory_space<hbm>>
      %dma_start3A_85 = arith.constant 0 : i32
      %dma_start3A_86 = tpu.memref_slice %arg4[%mul3A_4, %dma_start3A_85] : memref<16384x128xf32, #tpu.memory_space<hbm>> -> memref<512x128xf32, #tpu.memory_space<hbm>>
      tpu.enqueue_dma source(%dma_start3A_86 : memref<512x128xf32, #tpu.memory_space<hbm>>) target(%arg7 : memref<512x128xf32, #tpu.memory_space<vmem>>) target_semaphore(%run_scoped3A : memref<!tpu.dma_semaphore, #tpu.memory_space<semaphore_mem>>)
      %dma_wait3A_87 = arith.constant 0 : i32
      %dma_wait3A_88 = tpu.memref_slice %arg4[%mul3A_4, %dma_wait3A_87] : memref<16384x128xf32, #tpu.memory_space<hbm>> -> memref<512x128xf32, #tpu.memory_space<hbm>>
      %dma_wait3A_89 = arith.constant 0 : i32
      %dma_wait3A_90 = tpu.memref_slice %arg4[%mul3A_4, %dma_wait3A_89] : memref<16384x128xf32, #tpu.memory_space<hbm>> -> memref<512x128xf32, #tpu.memory_space<hbm>>
      tpu.wait_dma2 semaphore(%run_scoped3A : memref<!tpu.dma_semaphore, #tpu.memory_space<semaphore_mem>>) src(%dma_wait3A_90 : memref<512x128xf32, #tpu.memory_space<hbm>>) dst(%arg7 : memref<512x128xf32, #tpu.memory_space<vmem>>)
      tpu.yield
    }) : () -> ()
    %dma_start3A = arith.constant 0 : i32
    %dma_start3A_5 = arith.constant 0 : i32
    %dma_start3A_6 = arith.constant 0 : i32
    %dma_start3A_7 = tpu.memref_slice %arg7[%dma_start3A_5, %dma_start3A_6] : memref<512x128xf32, #tpu.memory_space<vmem>> -> memref<128x128xf32, #tpu.memory_space<vmem>>
    %dma_start3A_8 = arith.constant 0 : i32
    %dma_start3A_9 = tpu.memref_slice %arg6[%dma_start3A, %dma_start3A_8] : memref<4x128xi32, #tpu.memory_space<vmem>> -> memref<1x128xi32, #tpu.memory_space<vmem>>
    %dma_start3A_10 = tpu.memref_squeeze %dma_start3A_9 : memref<1x128xi32, #tpu.memory_space<vmem>> -> memref<128xi32, #tpu.memory_space<vmem>>
    %dma_start3A_11 = arith.constant 0 : i32
    %dma_start3A_12 = arith.constant 0 : i32
    %dma_start3A_13 = tpu.memref_slice %arg2[%dma_start3A_11, %dma_start3A_12] : memref<1000000x128xf32, #tpu.memory_space<hbm>> -> memref<1000000x128xf32, #tpu.memory_space<hbm>>
    tpu.enqueue_indirect_dma source(%dma_start3A_7 : memref<128x128xf32, #tpu.memory_space<vmem>>) target(%dma_start3A_13 : memref<1000000x128xf32, #tpu.memory_space<hbm>>) offsets(%dma_start3A_10 : memref<128xi32, #tpu.memory_space<vmem>>) semaphore(%arg8 : memref<!tpu.dma_semaphore, #tpu.memory_space<semaphore_mem>>)
    %dma_start3A_14 = arith.constant 1 : i32
    %dma_start3A_15 = arith.constant 128 : i32
    %dma_start3A_16 = arith.constant 0 : i32
    %dma_start3A_17 = tpu.memref_slice %arg7[%dma_start3A_15, %dma_start3A_16] : memref<512x128xf32, #tpu.memory_space<vmem>> -> memref<128x128xf32, #tpu.memory_space<vmem>>
    %dma_start3A_18 = arith.constant 0 : i32
    %dma_start3A_19 = tpu.memref_slice %arg6[%dma_start3A_14, %dma_start3A_18] : memref<4x128xi32, #tpu.memory_space<vmem>> -> memref<1x128xi32, #tpu.memory_space<vmem>>
    %dma_start3A_20 = tpu.memref_squeeze %dma_start3A_19 : memref<1x128xi32, #tpu.memory_space<vmem>> -> memref<128xi32, #tpu.memory_space<vmem>>
    %dma_start3A_21 = arith.constant 0 : i32
    %dma_start3A_22 = arith.constant 0 : i32
    %dma_start3A_23 = tpu.memref_slice %arg2[%dma_start3A_21, %dma_start3A_22] : memref<1000000x128xf32, #tpu.memory_space<hbm>> -> memref<1000000x128xf32, #tpu.memory_space<hbm>>
    tpu.enqueue_indirect_dma source(%dma_start3A_17 : memref<128x128xf32, #tpu.memory_space<vmem>>) target(%dma_start3A_23 : memref<1000000x128xf32, #tpu.memory_space<hbm>>) offsets(%dma_start3A_20 : memref<128xi32, #tpu.memory_space<vmem>>) semaphore(%arg8 : memref<!tpu.dma_semaphore, #tpu.memory_space<semaphore_mem>>)
    %dma_start3A_24 = arith.constant 2 : i32
    %dma_start3A_25 = arith.constant 256 : i32
    %dma_start3A_26 = arith.constant 0 : i32
    %dma_start3A_27 = tpu.memref_slice %arg7[%dma_start3A_25, %dma_start3A_26] : memref<512x128xf32, #tpu.memory_space<vmem>> -> memref<128x128xf32, #tpu.memory_space<vmem>>
    %dma_start3A_28 = arith.constant 0 : i32
    %dma_start3A_29 = tpu.memref_slice %arg6[%dma_start3A_24, %dma_start3A_28] : memref<4x128xi32, #tpu.memory_space<vmem>> -> memref<1x128xi32, #tpu.memory_space<vmem>>
    %dma_start3A_30 = tpu.memref_squeeze %dma_start3A_29 : memref<1x128xi32, #tpu.memory_space<vmem>> -> memref<128xi32, #tpu.memory_space<vmem>>
    %dma_start3A_31 = arith.constant 0 : i32
    %dma_start3A_32 = arith.constant 0 : i32
    %dma_start3A_33 = tpu.memref_slice %arg2[%dma_start3A_31, %dma_start3A_32] : memref<1000000x128xf32, #tpu.memory_space<hbm>> -> memref<1000000x128xf32, #tpu.memory_space<hbm>>
    tpu.enqueue_indirect_dma source(%dma_start3A_27 : memref<128x128xf32, #tpu.memory_space<vmem>>) target(%dma_start3A_33 : memref<1000000x128xf32, #tpu.memory_space<hbm>>) offsets(%dma_start3A_30 : memref<128xi32, #tpu.memory_space<vmem>>) semaphore(%arg8 : memref<!tpu.dma_semaphore, #tpu.memory_space<semaphore_mem>>)
    %dma_start3A_34 = arith.constant 3 : i32
    %dma_start3A_35 = arith.constant 384 : i32
    %dma_start3A_36 = arith.constant 0 : i32
    %dma_start3A_37 = tpu.memref_slice %arg7[%dma_start3A_35, %dma_start3A_36] : memref<512x128xf32, #tpu.memory_space<vmem>> -> memref<128x128xf32, #tpu.memory_space<vmem>>
    %dma_start3A_38 = arith.constant 0 : i32
    %dma_start3A_39 = tpu.memref_slice %arg6[%dma_start3A_34, %dma_start3A_38] : memref<4x128xi32, #tpu.memory_space<vmem>> -> memref<1x128xi32, #tpu.memory_space<vmem>>
    %dma_start3A_40 = tpu.memref_squeeze %dma_start3A_39 : memref<1x128xi32, #tpu.memory_space<vmem>> -> memref<128xi32, #tpu.memory_space<vmem>>
    %dma_start3A_41 = arith.constant 0 : i32
    %dma_start3A_42 = arith.constant 0 : i32
    %dma_start3A_43 = tpu.memref_slice %arg2[%dma_start3A_41, %dma_start3A_42] : memref<1000000x128xf32, #tpu.memory_space<hbm>> -> memref<1000000x128xf32, #tpu.memory_space<hbm>>
    tpu.enqueue_indirect_dma source(%dma_start3A_37 : memref<128x128xf32, #tpu.memory_space<vmem>>) target(%dma_start3A_43 : memref<1000000x128xf32, #tpu.memory_space<hbm>>) offsets(%dma_start3A_40 : memref<128xi32, #tpu.memory_space<vmem>>) semaphore(%arg8 : memref<!tpu.dma_semaphore, #tpu.memory_space<semaphore_mem>>)
    %dma_wait3A = arith.constant 0 : i32
    %dma_wait3A_44 = arith.constant 0 : i32
    %dma_wait3A_45 = arith.constant 0 : i32
    %dma_wait3A_46 = tpu.memref_slice %arg7[%dma_wait3A_44, %dma_wait3A_45] : memref<512x128xf32, #tpu.memory_space<vmem>> -> memref<128x128xf32, #tpu.memory_space<vmem>>
    %dma_wait3A_47 = arith.constant 0 : i32
    %dma_wait3A_48 = tpu.memref_slice %arg6[%dma_wait3A, %dma_wait3A_47] : memref<4x128xi32, #tpu.memory_space<vmem>> -> memref<1x128xi32, #tpu.memory_space<vmem>>
    %dma_wait3A_49 = tpu.memref_squeeze %dma_wait3A_48 : memref<1x128xi32, #tpu.memory_space<vmem>> -> memref<128xi32, #tpu.memory_space<vmem>>
    %dma_wait3A_50 = arith.constant 0 : i32
    %dma_wait3A_51 = arith.constant 0 : i32
    %dma_wait3A_52 = tpu.memref_slice %arg2[%dma_wait3A_50, %dma_wait3A_51] : memref<1000000x128xf32, #tpu.memory_space<hbm>> -> memref<1000000x128xf32, #tpu.memory_space<hbm>>
    tpu.wait_indirect_dma semaphore(%arg8 : memref<!tpu.dma_semaphore, #tpu.memory_space<semaphore_mem>>) src(%dma_wait3A_46 : memref<128x128xf32, #tpu.memory_space<vmem>>) dst(%dma_wait3A_52 : memref<1000000x128xf32, #tpu.memory_space<hbm>>)
    %dma_wait3A_53 = arith.constant 1 : i32
    %dma_wait3A_54 = arith.constant 128 : i32
    %dma_wait3A_55 = arith.constant 0 : i32
    %dma_wait3A_56 = tpu.memref_slice %arg7[%dma_wait3A_54, %dma_wait3A_55] : memref<512x128xf32, #tpu.memory_space<vmem>> -> memref<128x128xf32, #tpu.memory_space<vmem>>
    %dma_wait3A_57 = arith.constant 0 : i32
    %dma_wait3A_58 = tpu.memref_slice %arg6[%dma_wait3A_53, %dma_wait3A_57] : memref<4x128xi32, #tpu.memory_space<vmem>> -> memref<1x128xi32, #tpu.memory_space<vmem>>
    %dma_wait3A_59 = tpu.memref_squeeze %dma_wait3A_58 : memref<1x128xi32, #tpu.memory_space<vmem>> -> memref<128xi32, #tpu.memory_space<vmem>>
    %dma_wait3A_60 = arith.constant 0 : i32
    %dma_wait3A_61 = arith.constant 0 : i32
    %dma_wait3A_62 = tpu.memref_slice %arg2[%dma_wait3A_60, %dma_wait3A_61] : memref<1000000x128xf32, #tpu.memory_space<hbm>> -> memref<1000000x128xf32, #tpu.memory_space<hbm>>
    tpu.wait_indirect_dma semaphore(%arg8 : memref<!tpu.dma_semaphore, #tpu.memory_space<semaphore_mem>>) src(%dma_wait3A_56 : memref<128x128xf32, #tpu.memory_space<vmem>>) dst(%dma_wait3A_62 : memref<1000000x128xf32, #tpu.memory_space<hbm>>)
    %dma_wait3A_63 = arith.constant 2 : i32
    %dma_wait3A_64 = arith.constant 256 : i32
    %dma_wait3A_65 = arith.constant 0 : i32
    %dma_wait3A_66 = tpu.memref_slice %arg7[%dma_wait3A_64, %dma_wait3A_65] : memref<512x128xf32, #tpu.memory_space<vmem>> -> memref<128x128xf32, #tpu.memory_space<vmem>>
    %dma_wait3A_67 = arith.constant 0 : i32
    %dma_wait3A_68 = tpu.memref_slice %arg6[%dma_wait3A_63, %dma_wait3A_67] : memref<4x128xi32, #tpu.memory_space<vmem>> -> memref<1x128xi32, #tpu.memory_space<vmem>>
    %dma_wait3A_69 = tpu.memref_squeeze %dma_wait3A_68 : memref<1x128xi32, #tpu.memory_space<vmem>> -> memref<128xi32, #tpu.memory_space<vmem>>
    %dma_wait3A_70 = arith.constant 0 : i32
    %dma_wait3A_71 = arith.constant 0 : i32
    %dma_wait3A_72 = tpu.memref_slice %arg2[%dma_wait3A_70, %dma_wait3A_71] : memref<1000000x128xf32, #tpu.memory_space<hbm>> -> memref<1000000x128xf32, #tpu.memory_space<hbm>>
    tpu.wait_indirect_dma semaphore(%arg8 : memref<!tpu.dma_semaphore, #tpu.memory_space<semaphore_mem>>) src(%dma_wait3A_66 : memref<128x128xf32, #tpu.memory_space<vmem>>) dst(%dma_wait3A_72 : memref<1000000x128xf32, #tpu.memory_space<hbm>>)
    %dma_wait3A_73 = arith.constant 3 : i32
    %dma_wait3A_74 = arith.constant 384 : i32
    %dma_wait3A_75 = arith.constant 0 : i32
    %dma_wait3A_76 = tpu.memref_slice %arg7[%dma_wait3A_74, %dma_wait3A_75] : memref<512x128xf32, #tpu.memory_space<vmem>> -> memref<128x128xf32, #tpu.memory_space<vmem>>
    %dma_wait3A_77 = arith.constant 0 : i32
    %dma_wait3A_78 = tpu.memref_slice %arg6[%dma_wait3A_73, %dma_wait3A_77] : memref<4x128xi32, #tpu.memory_space<vmem>> -> memref<1x128xi32, #tpu.memory_space<vmem>>
    %dma_wait3A_79 = tpu.memref_squeeze %dma_wait3A_78 : memref<1x128xi32, #tpu.memory_space<vmem>> -> memref<128xi32, #tpu.memory_space<vmem>>
    %dma_wait3A_80 = arith.constant 0 : i32
    %dma_wait3A_81 = arith.constant 0 : i32
    %dma_wait3A_82 = tpu.memref_slice %arg2[%dma_wait3A_80, %dma_wait3A_81] : memref<1000000x128xf32, #tpu.memory_space<hbm>> -> memref<1000000x128xf32, #tpu.memory_space<hbm>>
    tpu.wait_indirect_dma semaphore(%arg8 : memref<!tpu.dma_semaphore, #tpu.memory_space<semaphore_mem>>) src(%dma_wait3A_76 : memref<128x128xf32, #tpu.memory_space<vmem>>) dst(%dma_wait3A_82 : memref<1000000x128xf32, #tpu.memory_space<hbm>>)
    return
  }
}

module attributes {stable_mosaic.version = 14 : i64} {
  func.func @_dense_body(%arg0: i32, %arg1: memref<2048x32xf32, #tpu.memory_space<vmem>>, %arg2: memref<2048x1xi32, #tpu.memory_space<vmem>>, %arg3: memref<2048x128xf32, #tpu.memory_space<vmem>>, %arg4: memref<2048x128xf32, #tpu.memory_space<vmem>>, %arg5: memref<1x1xf32, #tpu.memory_space<smem>>, %arg6: memref<1x1xf32, #tpu.memory_space<smem>>, %arg7: memref<1x1xf32, #tpu.memory_space<smem>>) attributes {dimension_semantics = [#tpu.dimension_semantics<arbitrary>], iteration_bounds = array<i64: 8>, scalar_prefetch = 0 : i64, scratch_operands = 2 : i64, tpu.core_type = #tpu.core_type<tc>, window_params = [{transform_indices = @transform_0, window_bounds = array<i64: 2048, 32>}, {transform_indices = @transform_1, window_bounds = array<i64: 2048, 1>}, {transform_indices = @transform_2, window_bounds = array<i64: 2048, 128>}, {transform_indices = @transform_3, window_bounds = array<i64: 2048, 128>}, {transform_indices = @transform_4, window_bounds = array<i64: 1, 1>}]} {
    %get3A = arith.constant 0 : index
    %get3A_0 = arith.constant 0 : index
    %get3A_1 = vector.load %arg1[%get3A, %get3A_0] : memref<2048x32xf32, #tpu.memory_space<vmem>>, vector<2048x32xf32>
    %reduce_max3A = arith.constant dense<0xFF800000> : vector<2048xf32>
    %reduce_max3A_2 = vector.multi_reduction <maximumf>, %get3A_1, %reduce_max3A [1] : vector<2048x32xf32> to vector<2048xf32>
    %broadcast_in_dim3A = vector.shape_cast %reduce_max3A_2 : vector<2048xf32> to vector<2048x1xf32>
    %sub3A = vector.broadcast %broadcast_in_dim3A : vector<2048x1xf32> to vector<2048x32xf32>
    %sub3A_3 = arith.subf %get3A_1, %sub3A : vector<2048x32xf32>
    %exp3A = math.exp %sub3A_3 : vector<2048x32xf32>
    %reduce_sum3A = arith.constant dense<0.000000e+00> : vector<2048xf32>
    %reduce_sum3A_4 = vector.multi_reduction <add>, %exp3A, %reduce_sum3A [1] : vector<2048x32xf32> to vector<2048xf32>
    %broadcast_in_dim3A_5 = vector.shape_cast %reduce_sum3A_4 : vector<2048xf32> to vector<2048x1xf32>
    %div3A = vector.broadcast %broadcast_in_dim3A_5 : vector<2048x1xf32> to vector<2048x32xf32>
    %div3A_6 = arith.divf %exp3A, %div3A : vector<2048x32xf32>
    %jit3A = arith.constant 9.99999974E-5 : f32
    %jit3A_7 = arith.constant 0.999899983 : f32
    %max3A = vector.broadcast %jit3A : f32 to vector<2048x32xf32>
    %max3A_8 = arith.maximumf %max3A, %div3A_6 : vector<2048x32xf32>
    %min3A = vector.broadcast %jit3A_7 : f32 to vector<2048x32xf32>
    %min3A_9 = arith.minimumf %min3A, %max3A_8 : vector<2048x32xf32>
    %sub3A_10 = vector.broadcast %broadcast_in_dim3A : vector<2048x1xf32> to vector<2048x32xf32>
    %sub3A_11 = arith.subf %get3A_1, %sub3A_10 : vector<2048x32xf32>
    %log3A = math.log %broadcast_in_dim3A_5 : vector<2048x1xf32>
    %sub3A_12 = vector.broadcast %log3A : vector<2048x1xf32> to vector<2048x32xf32>
    %sub3A_13 = arith.subf %sub3A_11, %sub3A_12 : vector<2048x32xf32>
    %get3A_14 = arith.constant 0 : index
    %get3A_15 = arith.constant 0 : index
    %get3A_16 = vector.load %arg2[%get3A_14, %get3A_15] : memref<2048x1xi32, #tpu.memory_space<vmem>>, vector<2048x1xi32>
    %iota3A = tpu.iota {dimensions = array<i32: 1>} : vector<2048x32xi32>
    %eq3A = vector.broadcast %get3A_16 : vector<2048x1xi32> to vector<2048x32xi32>
    %eq3A_17 = arith.cmpi eq, %eq3A, %iota3A : vector<2048x32xi32>
    %jit3A_18 = arith.constant 0.000000e+00 : f32
    %broadcast_in_dim3A_19 = vector.broadcast %jit3A_18 : f32 to vector<2048x32xf32>
    %select_n3A = arith.select %eq3A_17, %sub3A_13, %broadcast_in_dim3A_19 : vector<2048x32xi1>, vector<2048x32xf32>
    %reduce_sum3A_20 = vector.shape_cast %select_n3A : vector<2048x32xf32> to vector<1x2048x32xf32>
    %reduce_sum3A_21 = arith.constant dense<0.000000e+00> : vector<1xf32>
    %reduce_sum3A_22 = vector.multi_reduction <add>, %reduce_sum3A_20, %reduce_sum3A_21 [1, 2] : vector<1x2048x32xf32> to vector<1xf32>
    %reduce_sum3A_23 = vector.shape_cast %reduce_sum3A_22 : vector<1xf32> to vector<1x1x1xf32>
    %reduce_sum3A_24 = vector.extract %reduce_sum3A_23[0, 0, 0] : f32 from vector<1x1x1xf32>
    %get3A_25 = arith.constant 0 : index
    %get3A_26 = arith.constant 0 : index
    %get3A_27 = vector.load %arg3[%get3A_25, %get3A_26] : memref<2048x128xf32, #tpu.memory_space<vmem>>, vector<2048x32xf32>
    %mul3A = arith.mulf %get3A_27, %min3A_9 : vector<2048x32xf32>
    %reduce_sum3A_28 = arith.constant dense<0.000000e+00> : vector<2048xf32>
    %reduce_sum3A_29 = vector.multi_reduction <add>, %mul3A, %reduce_sum3A_28 [1] : vector<2048x32xf32> to vector<2048xf32>
    %broadcast_in_dim3A_30 = vector.shape_cast %reduce_sum3A_29 : vector<2048xf32> to vector<2048x1xf32>
    %sub3A_31 = arith.constant 1.000000e+00 : f32
    %sub3A_32 = vector.broadcast %sub3A_31 : f32 to vector<2048x1xf32>
    %sub3A_33 = arith.subf %sub3A_32, %broadcast_in_dim3A_30 : vector<2048x1xf32>
    %log3A_34 = math.log %sub3A_33 : vector<2048x1xf32>
    %reduce_sum3A_35 = vector.shape_cast %log3A_34 : vector<2048x1xf32> to vector<1x2048x1xf32>
    %reduce_sum3A_36 = arith.constant dense<0.000000e+00> : vector<1xf32>
    %reduce_sum3A_37 = vector.multi_reduction <add>, %reduce_sum3A_35, %reduce_sum3A_36 [1, 2] : vector<1x2048x1xf32> to vector<1xf32>
    %reduce_sum3A_38 = vector.shape_cast %reduce_sum3A_37 : vector<1xf32> to vector<1x1x1xf32>
    %reduce_sum3A_39 = vector.extract %reduce_sum3A_38[0, 0, 0] : f32 from vector<1x1x1xf32>
    %mul3A_40 = arith.constant 0.699999988 : f32
    %mul3A_41 = vector.broadcast %mul3A_40 : f32 to vector<2048x32xf32>
    %mul3A_42 = arith.mulf %mul3A_41, %get3A_27 : vector<2048x32xf32>
    %mul3A_43 = arith.constant 3.000000e-01 : f32
    %mul3A_44 = vector.broadcast %mul3A_43 : f32 to vector<2048x32xf32>
    %mul3A_45 = arith.mulf %mul3A_44, %min3A_9 : vector<2048x32xf32>
    %add3A = arith.addf %mul3A_42, %mul3A_45 : vector<2048x32xf32>
    %swap3A = arith.constant 0 : index
    %swap3A_46 = arith.constant 0 : index
    %swap3A_47 = vector.load %arg4[%swap3A, %swap3A_46] : memref<2048x128xf32, #tpu.memory_space<vmem>>, vector<2048x32xf32>
    tpu.vector_store %arg4[%swap3A, %swap3A_46], %add3A {strides = array<i32>} : memref<2048x128xf32, #tpu.memory_space<vmem>>, vector<2048x32xf32>,
    %broadcast_in_dim3A_48 = arith.constant 0.000000e+00 : f32
    %broadcast_in_dim3A_49 = vector.broadcast %broadcast_in_dim3A_48 : f32 to vector<2048x96xf32>
    %swap3A_50 = arith.constant 0 : index
    %swap3A_51 = arith.constant 32 : index
    %swap3A_52 = vector.load %arg4[%swap3A_50, %swap3A_51] : memref<2048x128xf32, #tpu.memory_space<vmem>>, vector<2048x96xf32>
    tpu.vector_store %arg4[%swap3A_50, %swap3A_51], %broadcast_in_dim3A_49 {strides = array<i32>} : memref<2048x128xf32, #tpu.memory_space<vmem>>, vector<2048x96xf32>,
    %eq3A_53 = arith.constant 0 : i32
    %eq3A_54 = arith.cmpi eq, %arg0, %eq3A_53 : i32
    %convert_element_type3A = arith.extui %eq3A_54 : i1 to i32
    %cond3A = arith.constant 0 : i32
    %cond3A_55 = arith.cmpi ne, %convert_element_type3A, %cond3A : i32
    scf.if %cond3A_55 {
      %swap3A_87 = arith.constant 0.000000e+00 : f32
      %swap3A_88 = arith.constant 0 : index
      %swap3A_89 = arith.constant 0 : index
      %swap3A_90 = memref.load %arg6[%swap3A_88, %swap3A_89] : memref<1x1xf32, #tpu.memory_space<smem>>
      memref.store %swap3A_87, %arg6[%swap3A_88, %swap3A_89] : memref<1x1xf32, #tpu.memory_space<smem>>
      %swap3A_91 = arith.constant 0.000000e+00 : f32
      %swap3A_92 = arith.constant 0 : index
      %swap3A_93 = arith.constant 0 : index
      %swap3A_94 = memref.load %arg7[%swap3A_92, %swap3A_93] : memref<1x1xf32, #tpu.memory_space<smem>>
      memref.store %swap3A_91, %arg7[%swap3A_92, %swap3A_93] : memref<1x1xf32, #tpu.memory_space<smem>>
    } else {
    }
    %get3A_56 = arith.constant 0 : index
    %get3A_57 = arith.constant 0 : index
    %get3A_58 = memref.load %arg6[%get3A_56, %get3A_57] : memref<1x1xf32, #tpu.memory_space<smem>>
    %add3A_59 = arith.addf %get3A_58, %reduce_sum3A_24 : f32
    %swap3A_60 = arith.constant 0 : index
    %swap3A_61 = arith.constant 0 : index
    %swap3A_62 = memref.load %arg6[%swap3A_60, %swap3A_61] : memref<1x1xf32, #tpu.memory_space<smem>>
    memref.store %add3A_59, %arg6[%swap3A_60, %swap3A_61] : memref<1x1xf32, #tpu.memory_space<smem>>
    %get3A_63 = arith.constant 0 : index
    %get3A_64 = arith.constant 0 : index
    %get3A_65 = memref.load %arg7[%get3A_63, %get3A_64] : memref<1x1xf32, #tpu.memory_space<smem>>
    %add3A_66 = arith.addf %get3A_65, %reduce_sum3A_39 : f32
    %swap3A_67 = arith.constant 0 : index
    %swap3A_68 = arith.constant 0 : index
    %swap3A_69 = memref.load %arg7[%swap3A_67, %swap3A_68] : memref<1x1xf32, #tpu.memory_space<smem>>
    memref.store %add3A_66, %arg7[%swap3A_67, %swap3A_68] : memref<1x1xf32, #tpu.memory_space<smem>>
    %get3A_70 = arith.constant 0 : index
    %get3A_71 = arith.constant 0 : index
    %get3A_72 = memref.load %arg6[%get3A_70, %get3A_71] : memref<1x1xf32, #tpu.memory_space<smem>>
    %neg3A = arith.constant 0.000000e+00 : f32
    %neg3A_73 = arith.subf %neg3A, %get3A_72 : f32
    %mul3A_74 = arith.constant 6.10351563E-5 : f32
    %mul3A_75 = arith.mulf %neg3A_73, %mul3A_74 : f32
    %get3A_76 = arith.constant 0 : index
    %get3A_77 = arith.constant 0 : index
    %get3A_78 = memref.load %arg7[%get3A_76, %get3A_77] : memref<1x1xf32, #tpu.memory_space<smem>>
    %mul3A_79 = arith.constant 3.000000e+00 : f32
    %mul3A_80 = arith.mulf %mul3A_79, %get3A_78 : f32
    %mul3A_81 = arith.constant 6.10351563E-5 : f32
    %mul3A_82 = arith.mulf %mul3A_80, %mul3A_81 : f32
    %add3A_83 = arith.addf %mul3A_75, %mul3A_82 : f32
    %swap3A_84 = arith.constant 0 : index
    %swap3A_85 = arith.constant 0 : index
    %swap3A_86 = memref.load %arg5[%swap3A_84, %swap3A_85] : memref<1x1xf32, #tpu.memory_space<smem>>
    memref.store %add3A_83, %arg5[%swap3A_84, %swap3A_85] : memref<1x1xf32, #tpu.memory_space<smem>>
    return
  }
  func.func @transform_0(%arg0: i32) -> (i32, i32) {
    %c0_i32 = arith.constant 0 : i32
    %c0_i32_0 = arith.constant 0 : i32
    return %arg0, %c0_i32 : i32, i32
  }
  func.func @transform_1(%arg0: i32) -> (i32, i32) {
    %c0_i32 = arith.constant 0 : i32
    %c0_i32_0 = arith.constant 0 : i32
    return %arg0, %c0_i32 : i32, i32
  }
  func.func @transform_2(%arg0: i32) -> (i32, i32) {
    %c0_i32 = arith.constant 0 : i32
    %c0_i32_0 = arith.constant 0 : i32
    return %arg0, %c0_i32 : i32, i32
  }
  func.func @transform_3(%arg0: i32) -> (i32, i32) {
    %c0_i32 = arith.constant 0 : i32
    %c0_i32_0 = arith.constant 0 : i32
    return %arg0, %c0_i32 : i32, i32
  }
  func.func @transform_4(%arg0: i32) -> (i32, i32) {
    %c0_i32 = arith.constant 0 : i32
    %c0_i32_0 = arith.constant 0 : i32
    %c0_i32_1 = arith.constant 0 : i32
    return %c0_i32, %c0_i32_0 : i32, i32
  }
}

module attributes {stable_mosaic.version = 14 : i64} {
  func.func @_padt_body(%arg0: i32, %arg1: memref<32x8192xf32, #tpu.memory_space<vmem>>, %arg2: memref<8192x128xf32, #tpu.memory_space<vmem>>) attributes {dimension_semantics = [#tpu.dimension_semantics<arbitrary>], iteration_bounds = array<i64: 123>, scalar_prefetch = 0 : i64, scratch_operands = 0 : i64, tpu.core_type = #tpu.core_type<tc>, window_params = [{transform_indices = @transform_0, window_bounds = array<i64: 32, 8192>}, {transform_indices = @transform_1, window_bounds = array<i64: 8192, 128>}]} {
    %get3A = arith.constant 0 : index
    %get3A_0 = arith.constant 0 : index
    %get3A_1 = vector.load %arg1[%get3A, %get3A_0] : memref<32x8192xf32, #tpu.memory_space<vmem>>, vector<32x8192xf32>
    %transpose3A = tpu.transpose %get3A_1, [1, 0] : vector<32x8192xf32> -> vector<8192x32xf32>
    %swap3A = arith.constant 0 : index
    %swap3A_2 = arith.constant 0 : index
    %swap3A_3 = vector.load %arg2[%swap3A, %swap3A_2] : memref<8192x128xf32, #tpu.memory_space<vmem>>, vector<8192x32xf32>
    tpu.vector_store %arg2[%swap3A, %swap3A_2], %transpose3A {strides = array<i32>} : memref<8192x128xf32, #tpu.memory_space<vmem>>, vector<8192x32xf32>,
    %broadcast_in_dim3A = arith.constant 0.000000e+00 : f32
    %broadcast_in_dim3A_4 = vector.broadcast %broadcast_in_dim3A : f32 to vector<8192x96xf32>
    %swap3A_5 = arith.constant 0 : index
    %swap3A_6 = arith.constant 32 : index
    %swap3A_7 = vector.load %arg2[%swap3A_5, %swap3A_6] : memref<8192x128xf32, #tpu.memory_space<vmem>>, vector<8192x96xf32>
    tpu.vector_store %arg2[%swap3A_5, %swap3A_6], %broadcast_in_dim3A_4 {strides = array<i32>} : memref<8192x128xf32, #tpu.memory_space<vmem>>, vector<8192x96xf32>,
    return
  }
  func.func @transform_0(%arg0: i32) -> (i32, i32) {
    %c0_i32 = arith.constant 0 : i32
    %c0_i32_0 = arith.constant 0 : i32
    return %c0_i32, %arg0 : i32, i32
  }
  func.func @transform_1(%arg0: i32) -> (i32, i32) {
    %c0_i32 = arith.constant 0 : i32
    %c0_i32_0 = arith.constant 0 : i32
    return %arg0, %c0_i32 : i32, i32
  }
}

</mosaic_0001>

<sc_bundles>
// kernel: kernel.6.cloned.1.call-start
scs
__scs_entry_jumppad:
0x0: {  	(pc) =	sbr.rel $0x88, $3  }
0x1: {  	(tag) =	ssettag $0x0;
	lr =	simm.s32 $0x1  }
0x2: {  	[smem:$0x3F9D] =	sst lr;
	_ =	strace $0xD0000000  }
0x3: {  	_ = 	snop  }
0x4: {  	_ = 	snop  }
0x5: {  	_ = 	snop  }
0x6: {  	_ = 	snop  }
0x7: {  	_ = 	snop  }
__scs_overlays_trampoline_lowered:
0x8: {  	[smem:$0x3FAC] =	sst s0  }
0x9: {  	[smem:$0x3FAD] =	sst s1  }
0xa: {  	[smem:$0x3FAE] =	sst s2  }
0xb: {  	[smem:$0x3FAF] =	sst s3  }
0xc: {  	[smem:$0x3FB0] =	sst s4  }
0xd: {  	[smem:$0x3FB1] =	sst s5  }
0xe: {  	[smem:$0x3FB2] =	sst s6  }
0xf: {  	[smem:$0x3FB3] =	sst s7  }
0x10: {  	[smem:$0x3FB4] =	sst s8  }
0x11: {  	[smem:$0x3FB5] =	sst s9;
	s0 =	simm.s32 @!p0 $0x0  }
0x12: {  	s1 =	sld [smem:$0x3F9B];
	s0 =	simm.s32 @p0 $0x1  }
0x13: {  	[smem:$0x3FB6] =	sst s0;
	s0 =	simm.s32 @!p1 $0x0  }
0x14: {  	s2 =	sld [smem:$0x3F9A];
	s0 =	simm.s32 @p1 $0x1  }
0x15: {  	[smem:$0x3FB7] =	sst s0;
	s0 =	simm.s32 @!p2 $0x0  }
0x16: {  	s3 =	sld [smem:$0x3FDB];
	s0 =	simm.s32 @p2 $0x1  }
0x17: {  	s4 =	simm.s32 $0x1BF5;
	[smem:$0x3FB9] =	sst s0  }
0x18: {  	s0 =	sld [smem:$0x3F9C];
	_ =	swait.ge [sflag:s4], $0x0  }
0x19: {  	s7 =	sld [smem:$0x3F9D]  }
0x1a: {  	s8 =	sadd.s32 $0xFFFFE003, lr  }
0x1b: {  	s9 =	sadd.s32 $0xFFFFFEF7, lr;
	s5 =	simm.s32 $0xFFFFFFFF;
	p2 =	slt.u32 s8, $0xFFFFF086  }
0x1c: {  	p1 =	slt.u32 s9, $0xF7A;
	s5 =	simm.s32 @!p2 $0x0  }
0x1d: {  	s5 =	simm.s32 @p1 $0x1;
	p0 =	seq.s32 s7, s2  }
0x1e: {  	s7 =	smul.u32 @!p0 $0xF7A, s2;
	p2 =	seq.s32 @!p0 s5, $0x0  }
0x1f: {  	s9 =	smul.u32 $0xF7A, s1;
	s8 =	simm.s32 @!p0 $0x1BF5;
	p2 =	por !p2, p0  }
0x20: {  	[sflag:s8] =	ssyncset.s32 @!p0 $0xFFFFF086;
	s6 =	sadd.s32 @!p0 s3, s7;
	s7 =	simm.s32 @!p0 $0x108  }
0x21: {  	s3 =	sadd.s32 s3, s9;
	s6 =	sadd.s32 @!p0 $0x88, s6;
	s7 =	simm.s32 @p2 $0x1082  }
0x22: {  	[simem:s7], [sflag:s8] =	dma.local @!p0 [hbm:s6], $0xF7A  }
0x23: {  	s9 =	sor.u32 $0xD0000000, s2;
	s6 =	simm.s32 $0x108;
	_ =	swait.ge @!p0 [sflag:s8], $0x0  }
0x24: {  	s3 =	sadd.s32 $0x88, s3;
	s6 =	simm.s32 @!p1 $0x1082;
	[sflag:s4] =	ssyncset.s32 $0xFFFFF086  }
0x25: {  	[simem:s6], [sflag:s4] =	dma.local [hbm:s3], $0xF7A  }
0x26: {  	[smem:$0x3F9D] =	sst s1;
	(tag) =	ssettag s2;
	_ =	strace s9  }
0x27: {  	s1 =	sld [smem:$0x3FAD]  }
0x28: {  	s2 =	sld [smem:$0x3FAE]  }
0x29: {  	s4 =	sld [smem:$0x3FB0]  }
0x2a: {  	p0 =	seq.s32 s5, $0x0;
	s5 =	sld [smem:$0x3FB1]  }
0x2b: {  	s6 =	sld [smem:$0x3FB2]  }
0x2c: {  	s7 =	sld [smem:$0x3FB3]  }
0x2d: {  	s3 =	simm.s32 $0x108;
	s8 =	sld [smem:$0x3FB4]  }
0x2e: {  	s3 =	simm.s32 @!p0 $0x1082;
	s9 =	sld [smem:$0x3FB5]  }
0x2f: {  	lr =	sadd.s32 s0, s3;
	s0 =	sld [smem:$0x3FAC]  }
0x30: {  	s3 =	sld [smem:$0x3FAF]  }
0x31: {  	[smem:$0x3FB8] =	sst s10  }
0x32: {  	s10 =	sld [smem:$0x3FB6];
	_ =	sdelay $0x3  }
0x33: {  	p0 =	seq.s32 s10, $0x1;
	s10 =	sld [smem:$0x3FB8];
	_ =	sdelay $0x3  }
0x34: {  	[smem:$0x3FB8] =	sst s10  }
0x35: {  	s10 =	sld [smem:$0x3FB7];
	_ =	sdelay $0x3  }
0x36: {  	p1 =	seq.s32 s10, $0x1;
	s10 =	sld [smem:$0x3FB8];
	_ =	sdelay $0x3  }
0x37: {  	[smem:$0x3FB8] =	sst s10  }
0x38: {  	s10 =	sld [smem:$0x3FB9]  }
0x39: {  	_ = 	snop;
	(pc) =	sbr.ind lr, $3  }
0x3a: {  	_ = 	snop  }
0x3b: {  	_ = 	snop  }
0x3c: {  	p2 =	seq.s32 s10, $0x1;
	s10 =	sld [smem:$0x3FB8]  }
0x3d: {  	_ =	shalt  }
0x3e: {  	_ =	shalt  }
0x3f: {  	_ =	shalt  }
0x40: {  	_ =	shalt  }
0x41: {  	_ =	shalt  }
0x42: {  	_ =	shalt  }
0x43: {  	_ =	shalt  }
0x44: {  	_ =	shalt  }
0x45: {  	_ =	shalt  }
0x46: {  	_ =	shalt  }
0x47: {  	_ =	shalt  }
0x48: {  	_ =	shalt  }
0x49: {  	_ =	shalt  }
0x4a: {  	_ =	shalt  }
0x4b: {  	_ =	shalt  }
0x4c: {  	_ =	shalt  }
0x4d: {  	_ =	shalt  }
0x4e: {  	_ =	shalt  }
0x4f: {  	_ =	shalt  }
0x50: {  	_ =	shalt  }
0x51: {  	_ =	shalt  }
0x52: {  	_ =	shalt  }
0x53: {  	_ =	shalt  }
0x54: {  	_ =	shalt  }
0x55: {  	_ =	shalt  }
0x56: {  	_ =	shalt  }
0x57: {  	_ =	shalt  }
0x58: {  	_ =	shalt  }
0x59: {  	_ =	shalt  }
0x5a: {  	_ =	shalt  }
0x5b: {  	_ =	shalt  }
0x5c: {  	_ =	shalt  }
0x5d: {  	_ =	shalt  }
0x5e: {  	_ =	shalt  }
0x5f: {  	_ =	shalt  }
0x60: {  	_ =	shalt  }
0x61: {  	_ =	shalt  }
0x62: {  	_ =	shalt  }
0x63: {  	_ =	shalt  }
0x64: {  	_ =	shalt  }
0x65: {  	_ =	shalt  }
0x66: {  	_ =	shalt  }
0x67: {  	_ =	shalt  }
0x68: {  	_ =	shalt  }
0x69: {  	_ =	shalt  }
0x6a: {  	_ =	shalt  }
0x6b: {  	_ =	shalt  }
0x6c: {  	_ =	shalt  }
0x6d: {  	_ =	shalt  }
0x6e: {  	_ =	shalt  }
0x6f: {  	_ =	shalt  }
0x70: {  	_ =	shalt  }
0x71: {  	_ =	shalt  }
0x72: {  	_ =	shalt  }
0x73: {  	_ =	shalt  }
0x74: {  	_ =	shalt  }
0x75: {  	_ =	shalt  }
0x76: {  	_ =	shalt  }
0x77: {  	_ =	shalt  }
0x78: {  	_ =	shalt  }
0x79: {  	_ =	shalt  }
0x7a: {  	_ =	shalt  }
0x7b: {  	_ =	shalt  }
0x7c: {  	_ =	shalt  }
0x7d: {  	_ =	shalt  }
0x7e: {  	_ =	shalt  }
0x7f: {  	_ =	shalt  }
0x80: {  	_ =	shalt  }
0x81: {  	_ =	shalt  }
0x82: {  	_ =	shalt  }
0x83: {  	_ =	shalt  }
0x84: {  	_ =	shalt  }
0x85: {  	_ =	shalt  }
0x86: {  	_ =	shalt  }
0x87: {  	_ =	shalt  }
.Lfunc_end0:
.L_simem_size_0:
called_computation.1_lowered:
.L_overlay_start_0:
0x88: {  	s2 =	sld [smem:$0x3FD9]  }
0x89: {  	s3 =	sld [smem:$0x3FFE];
	_ =	sdelay $0x1  }
0x8a: {  	s1 =	srdreg.scid  }
0x8b: {  	s0 =	sand.u32 $0x1, s1  }
0x8c: {  	s17 =	sshll.u32 s0, $0xA;
	s2 =	sadd.s32 s3, s2  }
0x8d: {  	s2 =	sadd.s32 s2, s17  }
0x8e: {  	[smem:$0x3FC4] =	sst s2  }
0x8f: {  	_ = 	snop  }
0x90: {  	s2 =	sld [smem:$0x3FC9];
	(tm) =	ssettm $0x1  }
0x91: {  	s18 =	sld [smem:$0x3FFB];
	_ =	sdelay $0x3  }
0x92: {  	_ =	strace s18  }
0x93: {  	s3 =	sld [smem:$0x3FFC];
	_ =	sdelay $0x3  }
0x94: {  	_ =	strace s3  }
0x95: {  	s3 =	sld [smem:$0x3FFD];
	_ =	sdelay $0x3  }
0x96: {  	_ =	strace s3  }
0x97: {  	_ =	strace $0x8FFFFFFF  }
0x98: {  	s19 =	sld [smem:$0x3FDB];
	_ =	sdelay $0x1  }
0x99: {  	s4 =	simm.s32 $_scs_section_size  }
0x9a: {  	s5 =	simm.s32 $_size__tile_overlayer_lowered;
	s6 =	simm.s32 $_tile_overlayer_lowered  }
0x9b: {  	s22 =	simm.s32 $0x1BFF;
	s21 =	sshll.u32 s6, $0x1;
	s3 =	sadd.s32 s4, s19  }
0x9c: {  	s7 =	simm.s32 $0x0;
	s20 =	sshll.u32 s5, $0x1;
	s5 =	sadd.s32 s21, s3  }
0x9d: {  	[timem:s7], [sflag:s22] =	dma.local [hbm:s5], s20  }
0x9e: {  	_ =	swait.ge [sflag:s22], s20  }
0x9f: {  	s4 =	ssub.s32 $0x0, s20;
	[sflag:s22] =	ssyncset.done $0x0  }
0xa0: {  	[sflag:s22] =	ssyncadd.s32 s4;
	_ =	sdelay $0x1  }
0xa1: {  	s23 =	simm.s32 $0x1B8B  }
0xa2: {  	_ =	swait.ge [sflag:s23], $0x1  }
0xa3: {  	[sflag:s23] =	ssyncset.done $0x0  }
0xa4: {  	s25 =	simm.s32 $0x1B8E;
	s24 =	sld [smem:$0x3FFE];
	[sflag:s23] =	ssyncadd.s32 $0xFFFFFFFF  }
0xa5: {  	s26 =	simm.s32 $execute0_lowered;
	[smem:$0x3FD2] =	sst s25  }
0xa6: {  	s5 =	sshll.u32 s26, $0x1;
	_ =	strace $0x80000046;
	[dreg:$0x1] =	wrdreg $0xFFFFFFFF  }
0xa7: {  	s28 =	simm.s32 $_size_execute0_lowered;
	s3 =	sadd.s32 s3, s5;
	[dreg:$0x0] =	wrdreg $0x0  }
0xa8: {  	s5 =	sshll.u32 s28, $0x1;
	[dreg:$0x2] =	wrdreg s3  }
0xa9: {  	[dreg:$0x3] =	wrdreg s5  }
0xaa: {  	[dreg:$0x4] =	wrdreg $0xC0  }
0xab: {  	_ =	task [dreg:s7], $0x5FFFF  }
0xac: {  	[dreg:$0x1] =	wrdreg $0xFFFFFFFF  }
0xad: {  	[dreg:$0x0] =	wrdreg $0x60  }
0xae: {  	[dreg:$0x2] =	wrdreg s24  }
0xaf: {  	[dreg:$0x3] =	wrdreg s2  }
0xb0: {  	[dreg:$0x4] =	wrdreg $0x9  }
0xb1: {  	_ =	task.clear_ibuf [dreg:s7], $0x5FFFF;
	_ =	strace $0x90000046  }
0xb2: {  	s29 =	simm.s32 $0x9;
	_ =	strace $0x80000048  }
0xb3: {  	_ =	swait.ge [sflag:s29], $0x1  }
0xb4: {  	[sflag:s29] =	ssyncadd.s32 $0xFFFFFFFF  }
0xb5: {  	_ =	strace $0x90000048  }
0xb6: {  	_ =	sfence  }
0xb7: {  	s30 =	sld [smem:$0x0];
	_ =	sdelay $0x2  }
0xb8: {  	s31 =	sshll.u32 s1, $0xD;
	s1 =	sshrl.u32 s1, $0x2  }
0xb9: {  	s3 =	sand.u32 $0x4000, s31;
	s1 =	sadd.s32 s1, s30  }
0xba: {  	s0 =	sor.u32 s3, s0;
	s1 =	sshll.u32 s1, $0x11  }
0xbb: {  	s0 =	sor.u32 s1, s0  }
0xbc: {  	s0 =	sadd.s32 $0x8F2B, s0  }
0xbd: {  	[sflag:s0] =	ssyncadd.remote.s32 $0x1  }
0xbe: {  	_ =	sfence.sel $0xFFFF  }
0xbf: {  	[dreg:$0x0] =	wrdreg $0xFFFFFFFF;
	(pc) =	sbr.abs _section_cstart, $3  }
0xc0: {  	[dreg:$0x1] =	wrdreg $0xFFFFFFFF  }
0xc1: {  	_ =	task.clear_ibuf [dreg:s7], $0x2FFFF;
	_ =	strace $0x9FFFFFFF  }
0xc2: {  	(tm) =	ssettm $0x7FFFFFFF  }
0xc3: {  	_ =	shalt  }
tec
execute0_lowered:
.L_overlay_start_1:
0x0: {  	(tag) =	ssettag $0x1  }
0x1: {  	s14 =	rddreg [dreg:$0x0]  }
0x2: {  	s3 =	rddreg [dreg:$0x1];
	s1 =	srdreg.scid  }
0x3: {  	s0 =	rddreg [dreg:$0x2];
	s15 =	sand.u32 $0x1, s1  }
0x4: {  	s2 =	simm.s32 $0x0;
	s1 =	stileid.u32;
	s4 =	sshll.u32 s15, $0x6  }
0x5: {  	[smem:$0x7FF] =	sst s2;
	s5 =	sshll.u32 s1, $0x7;
	s3 =	sadd.s32 s3, s4  }
0x6: {  	_ =	strace $0x80000047;
	s4 =	sadd.s32 s5, s3;
	s3 =	simm.s32 $0x2  }
0x7: {  	[tilespmem:s2], [sflag:$0x2] =	stream.linear.gather [hbm4b:s4+s2], $0x200, $0x38;
	[tilespmem:$0x10200] =	vst v63  }
0x8: {  	_ =	swait.ge [sflag:s3], $0x200  }
0x9: {  	s6 =	simm.s32 $0x80;
	[sflag:s3] =	ssyncset.done $0x0  }
0xa: {  	s7 =	simm.s32 $0x200;
	s5 =	sadd.s32 $0x1800, s14;
	[sflag:s3] =	ssyncadd.s32 $0xFFFFFE00  }
0xb: {  	[tilespmem:s7], [sflag:$0x1] =	stream.indirect.gather [hbm4b:s5+s6], $0x80, s2, s6, $0xb8;
	[tilespmem:$0x10200] =	vst v63  }
0xc: {  	s8 =	simm.s32 $0x4200  }
0xd: {  	[tilespmem:s8], [sflag:$0x1] =	stream.indirect.gather [hbm4b:s5+s6], $0x80, s6, s6, $0xb8;
	[tilespmem:$0x10200] =	vst v63  }
0xe: {  	s9 =	simm.s32 $0x100;
	s10 =	simm.s32 $0x8200  }
0xf: {  	[tilespmem:s10], [sflag:$0x1] =	stream.indirect.gather [hbm4b:s5+s6], $0x80, s9, s6, $0xb8;
	[tilespmem:$0x10200] =	vst v63  }
0x10: {  	s11 =	simm.s32 $0x180;
	s12 =	simm.s32 $0xC200;
	s13 =	simm.s32 $0x1  }
0x11: {  	[tilespmem:s12], [sflag:$0x1] =	stream.indirect.gather [hbm4b:s5+s6], $0x80, s11, s6, $0xb8;
	[tilespmem:$0x10200] =	vst v63  }
0x12: {  	_ =	swait.ge [sflag:s13], $0x4000  }
0x13: {  	[sflag:s13] =	ssyncset.done $0x0  }
0x14: {  	[sflag:s13] =	ssyncadd.s32 $0xFFFFC000  }
0x15: {  	_ =	swait.ge [sflag:s13], $0x4000  }
0x16: {  	[sflag:s13] =	ssyncset.done $0x0  }
0x17: {  	s16 =	sshll.u32 s15, $0xD;
	s15 =	ssub.s32 $0x2, s15;
	[sflag:s13] =	ssyncadd.s32 $0xFFFFC000  }
0x18: {  	s31 =	sshrl.u32 s15, $0x1;
	_ =	swait.ge [sflag:s13], $0x4000  }
0x19: {  	s15 =	ssub.s32 s15, s31;
	[sflag:s13] =	ssyncset.done $0x0  }
0x1a: {  	s17 =	sshll.u32 s1, $0xE;
	s15 =	smax.u32 s15, $0x1;
	[sflag:s13] =	ssyncadd.s32 $0xFFFFC000  }
0x1b: {  	s14 =	sadd.s32 s16, s14;
	p0 =	sne.s32 s15, $0x1;
	_ =	swait.ge [sflag:s13], $0x4000  }
.Ltmp0:
0x1c: {  	s14 =	sadd.s32 s17, s14;
	[sflag:s13] =	ssyncset.done $0x0;
	(pc) =	sbr.rel @!p0 .LBB2_2-.Ltmp0, $4  }
0x1d: {  	s14 =	sadd.s32 $0xF43C00, s14;
	[sflag:s13] =	ssyncadd.s32 $0xFFFFC000  }
0x1e: {  	[hbm4b:s14+s2] =	stream.linear.scatter [tilespmem:s7], [sflag:$0x2], $0x10000, $0x38;
	[tilespmem:$0x10200] =	vst v63  }
0x1f: {  	_ =	swait.ge [sflag:s3], $0x10000  }
0x20: {  	s15 =	sadd.s32 $0xFFFFFFFF, s15;
	[sflag:s3] =	ssyncset.done $0x0  }
.LBB2_1:
0x21: {  	p0 =	sne.s32 s15, $0x1;
	s15 =	sadd.s32 $0xFFFFFFFF, s15;
	[sflag:s3] =	ssyncadd.s32 $0xFFFF0000  }
0x22: {  	[tilespmem:s2], [sflag:$0x2] =	stream.linear.gather [hbm4b:s4+s2], $0x200, $0x38;
	[tilespmem:$0x10200] =	vst v63  }
0x23: {  	_ =	swait.ge [sflag:s3], $0x200  }
0x24: {  	[sflag:s3] =	ssyncset.done $0x0  }
0x25: {  	[sflag:s3] =	ssyncadd.s32 $0xFFFFFE00  }
0x26: {  	[tilespmem:s7], [sflag:$0x1] =	stream.indirect.gather [hbm4b:s5+s6], $0x80, s2, s6, $0xb8;
	[tilespmem:$0x10200] =	vst v63  }
0x27: {  	_ = 	snop  }
0x28: {  	[tilespmem:s8], [sflag:$0x1] =	stream.indirect.gather [hbm4b:s5+s6], $0x80, s6, s6, $0xb8;
	[tilespmem:$0x10200] =	vst v63  }
0x29: {  	_ = 	snop  }
0x2a: {  	[tilespmem:s10], [sflag:$0x1] =	stream.indirect.gather [hbm4b:s5+s6], $0x80, s9, s6, $0xb8;
	[tilespmem:$0x10200] =	vst v63  }
0x2b: {  	_ = 	snop  }
0x2c: {  	[tilespmem:s12], [sflag:$0x1] =	stream.indirect.gather [hbm4b:s5+s6], $0x80, s11, s6, $0xb8;
	[tilespmem:$0x10200] =	vst v63  }
0x2d: {  	_ =	swait.ge [sflag:s13], $0x4000  }
0x2e: {  	[sflag:s13] =	ssyncset.done $0x0  }
0x2f: {  	[sflag:s13] =	ssyncadd.s32 $0xFFFFC000  }
0x30: {  	_ =	swait.ge [sflag:s13], $0x4000  }
0x31: {  	[sflag:s13] =	ssyncset.done $0x0  }
0x32: {  	[sflag:s13] =	ssyncadd.s32 $0xFFFFC000  }
0x33: {  	_ =	swait.ge [sflag:s13], $0x4000  }
0x34: {  	[sflag:s13] =	ssyncset.done $0x0  }
0x35: {  	[sflag:s13] =	ssyncadd.s32 $0xFFFFC000  }
0x36: {  	_ =	swait.ge [sflag:s13], $0x4000  }
.Ltmp1:
0x37: {  	[sflag:s13] =	ssyncset.done $0x0;
	(pc) =	sbr.rel @p0 .LBB2_1-.Ltmp1, $4  }
0x38: {  	[sflag:s13] =	ssyncadd.s32 $0xFFFFC000  }
0x39: {  	[hbm4b:s14+s2] =	stream.linear.scatter [tilespmem:s7], [sflag:$0x2], $0x10000, $0x38;
	[tilespmem:$0x10200] =	vst v63  }
0x3a: {  	_ =	swait.ge [sflag:s3], $0x10000  }
0x3b: {  	[sflag:s3] =	ssyncset.done $0x0  }
.LBB2_2:
0x3c: {  	[sflag:s3] =	ssyncadd.s32 $0xFFFF0000  }
0x3d: {  	_ =	sfence.sel $0x180000  }
0x3e: {  	[bflag:$0x0] =	sbarrier.arrive $0xFFFF  }
0x3f: {  	p0 =	sne.s32 s1, $0x0;
	_ =	strace $0x90000047  }
0x40: {  	s0 =	sadd.s32 @!p0 $0x100000, s0;
	[bflag:$0x2] =	sbarrier.arrive $0xFFFF  }
0x41: {  	[sflag:s0] =	ssyncadd.tile.s32 @!p0 $0x1;
	_ =	shalt  }
.Lfunc_end2:
_tile_overlayer_lowered:
.L_overlay_start_2:
0x42: {  	(tag) =	ssettag $0x2  }
0x43: {  	s0 =	rddreg [dreg:$0x0];
	s2 =	stileid.u32  }
0x44: {  	s1 =	rddreg [dreg:$0x1];
	p0 =	sne.s32 s2, $0x0  }
0x45: {  	s3 =	rddreg [dreg:$0x2];
	[bflag:$0x3] =	sbarrier.arrive $0xFFFF;
	s2 =	simm.s32 @!p0 $0x1C02  }
0x46: {  	[timem:s3], [sflag:s2] =	dma.local @!p0 [hbm:s0], s1  }
0x47: {  	s0 =	simm.s32 @!p0 $0x2  }
0x48: {  	_ =	swait.ge @!p0 [sflag:s0], s1  }
0x49: {  	s1 =	ssub.s32 @!p0 $0x0, s1;
	[sflag:s0] =	ssyncset.done @!p0 $0x0  }
0x4a: {  	[sflag:s0] =	ssyncadd.s32 @!p0 s1  }
0x4b: {  	[bflag:$0x3] =	sbarrier.arrive $0xFFFF  }
0x4c: {  	_ =	shalt  }

// kernel: kernel.9.cloned.1.call-start
scs
__scs_entry_jumppad:
0x0: {  	(pc) =	sbr.rel $0x88, $3  }
0x1: {  	(tag) =	ssettag $0x0;
	lr =	simm.s32 $0x1  }
0x2: {  	[smem:$0x3F9D] =	sst lr;
	_ =	strace $0xD0000000  }
0x3: {  	_ = 	snop  }
0x4: {  	_ = 	snop  }
0x5: {  	_ = 	snop  }
0x6: {  	_ = 	snop  }
0x7: {  	_ = 	snop  }
__scs_overlays_trampoline_lowered:
0x8: {  	[smem:$0x3FAC] =	sst s0  }
0x9: {  	[smem:$0x3FAD] =	sst s1  }
0xa: {  	[smem:$0x3FAE] =	sst s2  }
0xb: {  	[smem:$0x3FAF] =	sst s3  }
0xc: {  	[smem:$0x3FB0] =	sst s4  }
0xd: {  	[smem:$0x3FB1] =	sst s5  }
0xe: {  	[smem:$0x3FB2] =	sst s6  }
0xf: {  	[smem:$0x3FB3] =	sst s7  }
0x10: {  	[smem:$0x3FB4] =	sst s8  }
0x11: {  	[smem:$0x3FB5] =	sst s9;
	s0 =	simm.s32 @!p0 $0x0  }
0x12: {  	s1 =	sld [smem:$0x3F9B];
	s0 =	simm.s32 @p0 $0x1  }
0x13: {  	[smem:$0x3FB6] =	sst s0;
	s0 =	simm.s32 @!p1 $0x0  }
0x14: {  	s2 =	sld [smem:$0x3F9A];
	s0 =	simm.s32 @p1 $0x1  }
0x15: {  	[smem:$0x3FB7] =	sst s0;
	s0 =	simm.s32 @!p2 $0x0  }
0x16: {  	s3 =	sld [smem:$0x3FDB];
	s0 =	simm.s32 @p2 $0x1  }
0x17: {  	s4 =	simm.s32 $0x1BF5;
	[smem:$0x3FB9] =	sst s0  }
0x18: {  	s0 =	sld [smem:$0x3F9C];
	_ =	swait.ge [sflag:s4], $0x0  }
0x19: {  	s7 =	sld [smem:$0x3F9D]  }
0x1a: {  	s8 =	sadd.s32 $0xFFFFE003, lr  }
0x1b: {  	s9 =	sadd.s32 $0xFFFFFEF7, lr;
	s5 =	simm.s32 $0xFFFFFFFF;
	p2 =	slt.u32 s8, $0xFFFFF086  }
0x1c: {  	p1 =	slt.u32 s9, $0xF7A;
	s5 =	simm.s32 @!p2 $0x0  }
0x1d: {  	s5 =	simm.s32 @p1 $0x1;
	p0 =	seq.s32 s7, s2  }
0x1e: {  	s7 =	smul.u32 @!p0 $0xF7A, s2;
	p2 =	seq.s32 @!p0 s5, $0x0  }
0x1f: {  	s9 =	smul.u32 $0xF7A, s1;
	s8 =	simm.s32 @!p0 $0x1BF5;
	p2 =	por !p2, p0  }
0x20: {  	[sflag:s8] =	ssyncset.s32 @!p0 $0xFFFFF086;
	s6 =	sadd.s32 @!p0 s3, s7;
	s7 =	simm.s32 @!p0 $0x108  }
0x21: {  	s3 =	sadd.s32 s3, s9;
	s6 =	sadd.s32 @!p0 $0x88, s6;
	s7 =	simm.s32 @p2 $0x1082  }
0x22: {  	[simem:s7], [sflag:s8] =	dma.local @!p0 [hbm:s6], $0xF7A  }
0x23: {  	s9 =	sor.u32 $0xD0000000, s2;
	s6 =	simm.s32 $0x108;
	_ =	swait.ge @!p0 [sflag:s8], $0x0  }
0x24: {  	s3 =	sadd.s32 $0x88, s3;
	s6 =	simm.s32 @!p1 $0x1082;
	[sflag:s4] =	ssyncset.s32 $0xFFFFF086  }
0x25: {  	[simem:s6], [sflag:s4] =	dma.local [hbm:s3], $0xF7A  }
0x26: {  	[smem:$0x3F9D] =	sst s1;
	(tag) =	ssettag s2;
	_ =	strace s9  }
0x27: {  	s1 =	sld [smem:$0x3FAD]  }
0x28: {  	s2 =	sld [smem:$0x3FAE]  }
0x29: {  	s4 =	sld [smem:$0x3FB0]  }
0x2a: {  	p0 =	seq.s32 s5, $0x0;
	s5 =	sld [smem:$0x3FB1]  }
0x2b: {  	s6 =	sld [smem:$0x3FB2]  }
0x2c: {  	s7 =	sld [smem:$0x3FB3]  }
0x2d: {  	s3 =	simm.s32 $0x108;
	s8 =	sld [smem:$0x3FB4]  }
0x2e: {  	s3 =	simm.s32 @!p0 $0x1082;
	s9 =	sld [smem:$0x3FB5]  }
0x2f: {  	lr =	sadd.s32 s0, s3;
	s0 =	sld [smem:$0x3FAC]  }
0x30: {  	s3 =	sld [smem:$0x3FAF]  }
0x31: {  	[smem:$0x3FB8] =	sst s10  }
0x32: {  	s10 =	sld [smem:$0x3FB6];
	_ =	sdelay $0x3  }
0x33: {  	p0 =	seq.s32 s10, $0x1;
	s10 =	sld [smem:$0x3FB8];
	_ =	sdelay $0x3  }
0x34: {  	[smem:$0x3FB8] =	sst s10  }
0x35: {  	s10 =	sld [smem:$0x3FB7];
	_ =	sdelay $0x3  }
0x36: {  	p1 =	seq.s32 s10, $0x1;
	s10 =	sld [smem:$0x3FB8];
	_ =	sdelay $0x3  }
0x37: {  	[smem:$0x3FB8] =	sst s10  }
0x38: {  	s10 =	sld [smem:$0x3FB9]  }
0x39: {  	_ = 	snop;
	(pc) =	sbr.ind lr, $3  }
0x3a: {  	_ = 	snop  }
0x3b: {  	_ = 	snop  }
0x3c: {  	p2 =	seq.s32 s10, $0x1;
	s10 =	sld [smem:$0x3FB8]  }
0x3d: {  	_ =	shalt  }
0x3e: {  	_ =	shalt  }
0x3f: {  	_ =	shalt  }
0x40: {  	_ =	shalt  }
0x41: {  	_ =	shalt  }
0x42: {  	_ =	shalt  }
0x43: {  	_ =	shalt  }
0x44: {  	_ =	shalt  }
0x45: {  	_ =	shalt  }
0x46: {  	_ =	shalt  }
0x47: {  	_ =	shalt  }
0x48: {  	_ =	shalt  }
0x49: {  	_ =	shalt  }
0x4a: {  	_ =	shalt  }
0x4b: {  	_ =	shalt  }
0x4c: {  	_ =	shalt  }
0x4d: {  	_ =	shalt  }
0x4e: {  	_ =	shalt  }
0x4f: {  	_ =	shalt  }
0x50: {  	_ =	shalt  }
0x51: {  	_ =	shalt  }
0x52: {  	_ =	shalt  }
0x53: {  	_ =	shalt  }
0x54: {  	_ =	shalt  }
0x55: {  	_ =	shalt  }
0x56: {  	_ =	shalt  }
0x57: {  	_ =	shalt  }
0x58: {  	_ =	shalt  }
0x59: {  	_ =	shalt  }
0x5a: {  	_ =	shalt  }
0x5b: {  	_ =	shalt  }
0x5c: {  	_ =	shalt  }
0x5d: {  	_ =	shalt  }
0x5e: {  	_ =	shalt  }
0x5f: {  	_ =	shalt  }
0x60: {  	_ =	shalt  }
0x61: {  	_ =	shalt  }
0x62: {  	_ =	shalt  }
0x63: {  	_ =	shalt  }
0x64: {  	_ =	shalt  }
0x65: {  	_ =	shalt  }
0x66: {  	_ =	shalt  }
0x67: {  	_ =	shalt  }
0x68: {  	_ =	shalt  }
0x69: {  	_ =	shalt  }
0x6a: {  	_ =	shalt  }
0x6b: {  	_ =	shalt  }
0x6c: {  	_ =	shalt  }
0x6d: {  	_ =	shalt  }
0x6e: {  	_ =	shalt  }
0x6f: {  	_ =	shalt  }
0x70: {  	_ =	shalt  }
0x71: {  	_ =	shalt  }
0x72: {  	_ =	shalt  }
0x73: {  	_ =	shalt  }
0x74: {  	_ =	shalt  }
0x75: {  	_ =	shalt  }
0x76: {  	_ =	shalt  }
0x77: {  	_ =	shalt  }
0x78: {  	_ =	shalt  }
0x79: {  	_ =	shalt  }
0x7a: {  	_ =	shalt  }
0x7b: {  	_ =	shalt  }
0x7c: {  	_ =	shalt  }
0x7d: {  	_ =	shalt  }
0x7e: {  	_ =	shalt  }
0x7f: {  	_ =	shalt  }
0x80: {  	_ =	shalt  }
0x81: {  	_ =	shalt  }
0x82: {  	_ =	shalt  }
0x83: {  	_ =	shalt  }
0x84: {  	_ =	shalt  }
0x85: {  	_ =	shalt  }
0x86: {  	_ =	shalt  }
0x87: {  	_ =	shalt  }
.Lfunc_end0:
.L_simem_size_0:
called_computation.2_lowered:
.L_overlay_start_0:
0x88: {  	s2 =	sld [smem:$0x3FD9]  }
0x89: {  	s3 =	sld [smem:$0x3FFE];
	_ =	sdelay $0x1  }
0x8a: {  	s1 =	srdreg.scid  }
0x8b: {  	s0 =	sand.u32 $0x1, s1  }
0x8c: {  	s14 =	sshll.u32 s0, $0xA;
	s2 =	sadd.s32 s3, s2  }
0x8d: {  	s2 =	sadd.s32 s2, s14  }
0x8e: {  	[smem:$0x3FC4] =	sst s2  }
0x8f: {  	_ = 	snop  }
0x90: {  	s2 =	sld [smem:$0x3FD0];
	_ =	sdelay $0x2  }
0x91: {  	s4 =	simm.s32 $0xA;
	s5 =	simm.s32 $0x10;
	s15 =	sld [smem:$0x3FC9]  }
0x92: {  	[smem:s5], [sflag:s4] =	dma.local [hbm:s2], $0x1  }
0x93: {  	_ =	swait.eq [sflag:s4], $0x1  }
0x94: {  	[sflag:s4] =	ssyncset.done $0x0  }
0x95: {  	[sflag:s4] =	ssyncadd.s32 $0xFFFFFFFF  }
0x96: {  	s16 =	sld [smem:$0x11];
	(tm) =	ssettm $0x1  }
0x97: {  	s17 =	sld [smem:$0x3FFB];
	_ =	sdelay $0x3  }
0x98: {  	_ =	strace s17  }
0x99: {  	s4 =	sld [smem:$0x3FFC];
	_ =	sdelay $0x3  }
0x9a: {  	_ =	strace s4  }
0x9b: {  	s4 =	sld [smem:$0x3FFD];
	_ =	sdelay $0x3  }
0x9c: {  	_ =	strace s4  }
0x9d: {  	_ =	strace $0x8FFFFFFF  }
0x9e: {  	s18 =	sld [smem:$0x3FDB];
	_ =	sdelay $0x1  }
0x9f: {  	s19 =	simm.s32 $_scs_section_size  }
0xa0: {  	s6 =	simm.s32 $_size__tile_overlayer_lowered;
	s7 =	simm.s32 $_tile_overlayer_lowered  }
0xa1: {  	s22 =	simm.s32 $0x1BFF;
	s21 =	sshll.u32 s7, $0x1;
	s4 =	sadd.s32 s19, s18  }
0xa2: {  	s8 =	simm.s32 $0x0;
	s20 =	sshll.u32 s6, $0x1;
	s6 =	sadd.s32 s21, s4  }
0xa3: {  	[timem:s8], [sflag:s22] =	dma.local [hbm:s6], s20  }
0xa4: {  	_ =	swait.ge [sflag:s22], s20  }
0xa5: {  	s5 =	ssub.s32 $0x0, s20;
	[sflag:s22] =	ssyncset.done $0x0  }
0xa6: {  	[sflag:s22] =	ssyncadd.s32 s5;
	_ =	sdelay $0x1  }
0xa7: {  	s23 =	simm.s32 $0x1B8B  }
0xa8: {  	_ =	swait.ge [sflag:s23], $0x1  }
0xa9: {  	[sflag:s23] =	ssyncset.done $0x0  }
0xaa: {  	s25 =	simm.s32 $0x1B8E;
	s24 =	sld [smem:$0x3FFE];
	[sflag:s23] =	ssyncadd.s32 $0xFFFFFFFF  }
0xab: {  	s26 =	simm.s32 $execute0_lowered;
	[smem:$0x3FD2] =	sst s25  }
0xac: {  	s6 =	sshll.u32 s26, $0x1;
	_ =	strace $0x80000049;
	[dreg:$0x1] =	wrdreg $0xFFFFFFFF  }
0xad: {  	s28 =	simm.s32 $_size_execute0_lowered;
	s4 =	sadd.s32 s4, s6;
	[dreg:$0x0] =	wrdreg $0x0  }
0xae: {  	s6 =	sshll.u32 s28, $0x1;
	[dreg:$0x2] =	wrdreg s4  }
0xaf: {  	[dreg:$0x3] =	wrdreg s6  }
0xb0: {  	[dreg:$0x4] =	wrdreg $0xC0  }
0xb1: {  	_ =	task [dreg:s8], $0x5FFFF  }
0xb2: {  	[dreg:$0x1] =	wrdreg $0xFFFFFFFF  }
0xb3: {  	[dreg:$0x0] =	wrdreg $0x60  }
0xb4: {  	[dreg:$0x2] =	wrdreg s24  }
0xb5: {  	[dreg:$0x3] =	wrdreg s15  }
0xb6: {  	[dreg:$0x4] =	wrdreg s16  }
0xb7: {  	[dreg:$0x5] =	wrdreg $0x9  }
0xb8: {  	_ =	task.clear_ibuf [dreg:s8], $0x6FFFF;
	_ =	strace $0x90000049  }
0xb9: {  	s29 =	simm.s32 $0x9;
	_ =	strace $0x8000004B  }
0xba: {  	_ =	swait.ge [sflag:s29], $0x1  }
0xbb: {  	[sflag:s29] =	ssyncadd.s32 $0xFFFFFFFF  }
0xbc: {  	_ =	strace $0x9000004B  }
0xbd: {  	_ =	sfence  }
0xbe: {  	s30 =	sld [smem:$0x0];
	_ =	sdelay $0x2  }
0xbf: {  	s31 =	sshll.u32 s1, $0xD;
	s1 =	sshrl.u32 s1, $0x2  }
0xc0: {  	s3 =	sand.u32 $0x4000, s31;
	s1 =	sadd.s32 s1, s30  }
0xc1: {  	s0 =	sor.u32 s3, s0;
	s1 =	sshll.u32 s1, $0x11  }
0xc2: {  	s0 =	sor.u32 s1, s0  }
0xc3: {  	s0 =	sadd.s32 $0x8F2B, s0  }
0xc4: {  	[sflag:s0] =	ssyncadd.remote.s32 $0x1  }
0xc5: {  	_ =	sfence.sel $0xFFFF  }
0xc6: {  	[dreg:$0x0] =	wrdreg $0xFFFFFFFF;
	(pc) =	sbr.abs _section_cstart, $3  }
0xc7: {  	[dreg:$0x1] =	wrdreg $0xFFFFFFFF  }
0xc8: {  	_ =	task.clear_ibuf [dreg:s8], $0x2FFFF;
	_ =	strace $0x9FFFFFFF  }
0xc9: {  	(tm) =	ssettm $0x7FFFFFFF  }
tec
execute0_lowered:
.L_overlay_start_1:
0x0: {  	(tag) =	ssettag $0x1  }
0x1: {  	s7 =	rddreg [dreg:$0x0]  }
0x2: {  	s3 =	rddreg [dreg:$0x1]  }
0x3: {  	s5 =	rddreg [dreg:$0x2];
	s1 =	srdreg.scid  }
0x4: {  	s0 =	rddreg [dreg:$0x3];
	s15 =	sand.u32 $0x1, s1  }
0x5: {  	s2 =	simm.s32 $0x0;
	s1 =	stileid.u32;
	s4 =	sshll.u32 s15, $0x6  }
0x6: {  	[smem:$0x7FF] =	sst s2;
	s6 =	sshll.u32 s1, $0x7;
	s3 =	sadd.s32 s3, s4  }
0x7: {  	_ =	strace $0x8000004A;
	s4 =	simm.s32 $0x2;
	s3 =	sadd.s32 s6, s3  }
0x8: {  	[tilespmem:s2], [sflag:$0x2] =	stream.linear.gather [hbm4b:s3+s2], $0x200, $0x38;
	[tilespmem:$0x10200] =	vst v63  }
0x9: {  	s31 =	sshll.u32 s15, $0xD;
	_ =	swait.ge [sflag:s4], $0x200  }
0xa: {  	s8 =	sshll.u32 s1, $0xE;
	s5 =	sadd.s32 s5, s31;
	[sflag:s4] =	ssyncset.done $0x0  }
0xb: {  	s5 =	sadd.s32 s8, s5;
	s6 =	simm.s32 $0x200;
	[sflag:s4] =	ssyncadd.s32 $0xFFFFFE00  }
0xc: {  	[tilespmem:s6], [sflag:$0x2] =	stream.linear.gather [hbm4b:s5+s2], $0x10000, $0x38;
	[tilespmem:$0x10200] =	vst v63  }
0xd: {  	_ =	swait.ge [sflag:s4], $0x10000  }
0xe: {  	[sflag:s4] =	ssyncset.done $0x0  }
0xf: {  	s7 =	sadd.s32 $0x1800, s7;
	s8 =	simm.s32 $0x80;
	[sflag:s4] =	ssyncadd.s32 $0xFFFF0000  }
0x10: {  	[hbm4b:s7+s8] =	stream.indirect.scatter [tilespmem:s6], [sflag:$0x1], $0x80, s2, s8, $0xb8;
	[tilespmem:$0x10200] =	vst v63  }
0x11: {  	s9 =	simm.s32 $0x4200  }
0x12: {  	[hbm4b:s7+s8] =	stream.indirect.scatter [tilespmem:s9], [sflag:$0x1], $0x80, s8, s8, $0xb8;
	[tilespmem:$0x10200] =	vst v63  }
0x13: {  	s10 =	simm.s32 $0x100;
	s11 =	simm.s32 $0x8200  }
0x14: {  	[hbm4b:s7+s8] =	stream.indirect.scatter [tilespmem:s11], [sflag:$0x1], $0x80, s10, s8, $0xb8;
	[tilespmem:$0x10200] =	vst v63  }
0x15: {  	s12 =	simm.s32 $0x180;
	s14 =	simm.s32 $0xC200;
	s13 =	simm.s32 $0x1  }
0x16: {  	[hbm4b:s7+s8] =	stream.indirect.scatter [tilespmem:s14], [sflag:$0x1], $0x80, s12, s8, $0xb8;
	[tilespmem:$0x10200] =	vst v63  }
0x17: {  	_ =	swait.ge [sflag:s13], $0x4000  }
0x18: {  	s15 =	ssub.s32 $0x2, s15;
	[sflag:s13] =	ssyncset.done $0x0  }
0x19: {  	s16 =	sshrl.u32 s15, $0x1;
	[sflag:s13] =	ssyncadd.s32 $0xFFFFC000  }
0x1a: {  	s15 =	ssub.s32 s15, s16;
	_ =	swait.ge [sflag:s13], $0x4000  }
0x1b: {  	s15 =	smax.u32 s15, $0x1;
	[sflag:s13] =	ssyncset.done $0x0  }
0x1c: {  	p0 =	sne.s32 s15, $0x1;
	[sflag:s13] =	ssyncadd.s32 $0xFFFFC000  }
.Ltmp0:
0x1d: {  	_ =	swait.ge [sflag:s13], $0x4000;
	(pc) =	sbr.rel @!p0 .LBB2_2-.Ltmp0, $4  }
0x1e: {  	[sflag:s13] =	ssyncset.done $0x0  }
0x1f: {  	[sflag:s13] =	ssyncadd.s32 $0xFFFFC000  }
0x20: {  	_ =	swait.ge [sflag:s13], $0x4000  }
0x21: {  	s15 =	sadd.s32 $0xFFFFFFFF, s15;
	[sflag:s13] =	ssyncset.done $0x0  }
.LBB2_1:
0x22: {  	p0 =	sne.s32 s15, $0x1;
	s15 =	sadd.s32 $0xFFFFFFFF, s15;
	[sflag:s13] =	ssyncadd.s32 $0xFFFFC000  }
0x23: {  	[tilespmem:s2], [sflag:$0x2] =	stream.linear.gather [hbm4b:s3+s2], $0x200, $0x38;
	[tilespmem:$0x10200] =	vst v63  }
0x24: {  	_ =	swait.ge [sflag:s4], $0x200  }
0x25: {  	[sflag:s4] =	ssyncset.done $0x0  }
0x26: {  	[sflag:s4] =	ssyncadd.s32 $0xFFFFFE00  }
0x27: {  	[tilespmem:s6], [sflag:$0x2] =	stream.linear.gather [hbm4b:s5+s2], $0x10000, $0x38;
	[tilespmem:$0x10200] =	vst v63  }
0x28: {  	_ =	swait.ge [sflag:s4], $0x10000  }
0x29: {  	[sflag:s4] =	ssyncset.done $0x0  }
0x2a: {  	[sflag:s4] =	ssyncadd.s32 $0xFFFF0000  }
0x2b: {  	[hbm4b:s7+s8] =	stream.indirect.scatter [tilespmem:s6], [sflag:$0x1], $0x80, s2, s8, $0xb8;
	[tilespmem:$0x10200] =	vst v63  }
0x2c: {  	_ = 	snop  }
0x2d: {  	[hbm4b:s7+s8] =	stream.indirect.scatter [tilespmem:s9], [sflag:$0x1], $0x80, s8, s8, $0xb8;
	[tilespmem:$0x10200] =	vst v63  }
0x2e: {  	_ = 	snop  }
0x2f: {  	[hbm4b:s7+s8] =	stream.indirect.scatter [tilespmem:s11], [sflag:$0x1], $0x80, s10, s8, $0xb8;
	[tilespmem:$0x10200] =	vst v63  }
0x30: {  	_ = 	snop  }
0x31: {  	[hbm4b:s7+s8] =	stream.indirect.scatter [tilespmem:s14], [sflag:$0x1], $0x80, s12, s8, $0xb8;
	[tilespmem:$0x10200] =	vst v63  }
0x32: {  	_ =	swait.ge [sflag:s13], $0x4000  }
0x33: {  	[sflag:s13] =	ssyncset.done $0x0  }
0x34: {  	[sflag:s13] =	ssyncadd.s32 $0xFFFFC000  }
0x35: {  	_ =	swait.ge [sflag:s13], $0x4000  }
0x36: {  	[sflag:s13] =	ssyncset.done $0x0  }
0x37: {  	[sflag:s13] =	ssyncadd.s32 $0xFFFFC000  }
.Ltmp1:
0x38: {  	_ =	swait.ge [sflag:s13], $0x4000;
	(pc) =	sbr.rel @p0 .LBB2_1-.Ltmp1, $4  }
0x39: {  	[sflag:s13] =	ssyncset.done $0x0  }
0x3a: {  	[sflag:s13] =	ssyncadd.s32 $0xFFFFC000  }
0x3b: {  	_ =	swait.ge [sflag:s13], $0x4000  }
0x3c: {  	[sflag:s13] =	ssyncset.done $0x0  }
.LBB2_2:
0x3d: {  	[sflag:s13] =	ssyncadd.s32 $0xFFFFC000  }
0x3e: {  	_ =	sfence.sel $0x180000  }
0x3f: {  	[bflag:$0x0] =	sbarrier.arrive $0xFFFF  }
0x40: {  	p0 =	sne.s32 s1, $0x0;
	_ =	strace $0x9000004A  }
0x41: {  	s0 =	sadd.s32 @!p0 $0x100000, s0;
	[bflag:$0x2] =	sbarrier.arrive $0xFFFF  }
0x42: {  	[sflag:s0] =	ssyncadd.tile.s32 @!p0 $0x1;
	_ =	shalt  }
.Lfunc_end2:
_tile_overlayer_lowered:
.L_overlay_start_2:
0x43: {  	(tag) =	ssettag $0x2  }
0x44: {  	s0 =	rddreg [dreg:$0x0];
	s2 =	stileid.u32  }
0x45: {  	s1 =	rddreg [dreg:$0x1];
	p0 =	sne.s32 s2, $0x0  }
0x46: {  	s3 =	rddreg [dreg:$0x2];
	[bflag:$0x3] =	sbarrier.arrive $0xFFFF;
	s2 =	simm.s32 @!p0 $0x1C02  }
0x47: {  	[timem:s3], [sflag:s2] =	dma.local @!p0 [hbm:s0], s1  }
0x48: {  	s0 =	simm.s32 @!p0 $0x2  }
0x49: {  	_ =	swait.ge @!p0 [sflag:s0], s1  }
0x4a: {  	s1 =	ssub.s32 @!p0 $0x0, s1;
	[sflag:s0] =	ssyncset.done @!p0 $0x0  }
0x4b: {  	[sflag:s0] =	ssyncadd.s32 @!p0 s1  }
0x4c: {  	[bflag:$0x3] =	sbarrier.arrive $0xFFFF  }
0x4d: {  	_ =	shalt  }

// kernel: sparse-core-data-format-call.cloned.1.call-start
scs
called_computation_lowered:
.L_overlay_start_0:
0x0: {  	s2 =	sld [smem:$0x3FD9]  }
0x1: {  	s3 =	sld [smem:$0x3FFE];
	_ =	sdelay $0x1  }
0x2: {  	s1 =	srdreg.scid  }
0x3: {  	s0 =	sand.u32 $0x1, s1  }
0x4: {  	s15 =	sshll.u32 s0, $0xA;
	s2 =	sadd.s32 s3, s2  }
0x5: {  	s2 =	sadd.s32 s2, s15  }
0x6: {  	[smem:$0x3FC4] =	sst s2  }
0x7: {  	_ = 	snop  }
0x8: {  	s2 =	sld [smem:$0x3FD0];
	_ =	sdelay $0x2  }
0x9: {  	s16 =	simm.s32 $0xA;
	s4 =	simm.s32 $0x10  }
0xa: {  	[smem:s4], [sflag:s16] =	dma.local [hbm:s2], $0x1  }
0xb: {  	_ =	swait.eq [sflag:s16], $0x1  }
0xc: {  	[sflag:s16] =	ssyncset.done $0x0  }
0xd: {  	[sflag:s16] =	ssyncadd.s32 $0xFFFFFFFF  }
0xe: {  	s17 =	sld [smem:$0x11];
	(tm) =	ssettm $0x1  }
0xf: {  	s18 =	sld [smem:$0x3FFB];
	_ =	sdelay $0x3  }
0x10: {  	_ =	strace s18  }
0x11: {  	s3 =	sld [smem:$0x3FFC];
	_ =	sdelay $0x3  }
0x12: {  	_ =	strace s3  }
0x13: {  	s3 =	sld [smem:$0x3FFD];
	_ =	sdelay $0x3  }
0x14: {  	_ =	strace s3  }
0x15: {  	_ =	strace $0x8FFFFFFF  }
0x16: {  	s19 =	sld [smem:$0x3FDB];
	_ =	sdelay $0x1  }
0x17: {  	s20 =	simm.s32 $_scs_section_size  }
0x18: {  	s5 =	simm.s32 $_size__tile_overlayer_lowered;
	s6 =	simm.s32 $_tile_overlayer_lowered  }
0x19: {  	s23 =	simm.s32 $0x1BFF;
	s22 =	sshll.u32 s6, $0x1;
	s3 =	sadd.s32 s20, s19  }
0x1a: {  	s7 =	simm.s32 $0x0;
	s21 =	sshll.u32 s5, $0x1;
	s5 =	sadd.s32 s22, s3  }
0x1b: {  	[timem:s7], [sflag:s23] =	dma.local [hbm:s5], s21  }
0x1c: {  	_ =	swait.ge [sflag:s23], s21  }
0x1d: {  	s4 =	ssub.s32 $0x0, s21;
	[sflag:s23] =	ssyncset.done $0x0  }
0x1e: {  	[sflag:s23] =	ssyncadd.s32 s4;
	_ =	sdelay $0x1  }
0x1f: {  	s24 =	simm.s32 $0x1B8B  }
0x20: {  	_ =	swait.ge [sflag:s24], $0x1  }
0x21: {  	[sflag:s24] =	ssyncset.done $0x0  }
0x22: {  	s26 =	simm.s32 $0x1B8E;
	s25 =	sld [smem:$0x3FFE];
	[sflag:s24] =	ssyncadd.s32 $0xFFFFFFFF  }
0x23: {  	s27 =	simm.s32 $execute0_lowered;
	[smem:$0x3FD2] =	sst s26  }
0x24: {  	s5 =	sshll.u32 s27, $0x1;
	_ =	strace $0x8000004C;
	[dreg:$0x1] =	wrdreg $0xFFFFFFFF  }
0x25: {  	s28 =	simm.s32 $_size_execute0_lowered;
	s3 =	sadd.s32 s3, s5;
	[dreg:$0x0] =	wrdreg $0x0  }
0x26: {  	s5 =	sshll.u32 s28, $0x1;
	[dreg:$0x2] =	wrdreg s3  }
0x27: {  	[dreg:$0x3] =	wrdreg s5  }
0x28: {  	[dreg:$0x4] =	wrdreg $0xC0  }
0x29: {  	_ =	task [dreg:s7], $0x5FFFF  }
0x2a: {  	[dreg:$0x1] =	wrdreg $0xFFFFFFFF  }
0x2b: {  	[dreg:$0x0] =	wrdreg $0x60  }
0x2c: {  	[dreg:$0x2] =	wrdreg s25  }
0x2d: {  	[dreg:$0x3] =	wrdreg s17  }
0x2e: {  	[dreg:$0x4] =	wrdreg $0x9  }
0x2f: {  	_ =	task.clear_ibuf [dreg:s7], $0x5FFFF;
	_ =	strace $0x9000004C  }
0x30: {  	s29 =	simm.s32 $0x9;
	_ =	strace $0x8000004E  }
0x31: {  	_ =	swait.ge [sflag:s29], $0x1  }
0x32: {  	[sflag:s29] =	ssyncadd.s32 $0xFFFFFFFF  }
0x33: {  	_ =	strace $0x9000004E  }
0x34: {  	_ =	sfence  }
0x35: {  	s30 =	sld [smem:$0x0];
	_ =	sdelay $0x2  }
0x36: {  	s31 =	sshll.u32 s1, $0xD;
	s1 =	sshrl.u32 s1, $0x2  }
0x37: {  	s3 =	sand.u32 $0x4000, s31;
	s1 =	sadd.s32 s1, s30  }
0x38: {  	s0 =	sor.u32 s3, s0;
	s1 =	sshll.u32 s1, $0x11  }
0x39: {  	s0 =	sor.u32 s1, s0  }
0x3a: {  	s0 =	sadd.s32 $0x8F2B, s0  }
0x3b: {  	[sflag:s0] =	ssyncadd.remote.s32 $0x1  }
0x3c: {  	_ =	sfence.sel $0xFFFF  }
0x3d: {  	[dreg:$0x0] =	wrdreg $0xFFFFFFFF;
	(pc) =	sbr.abs _section_cstart, $3  }
0x3e: {  	[dreg:$0x1] =	wrdreg $0xFFFFFFFF  }
0x3f: {  	_ =	task.clear_ibuf [dreg:s7], $0x2FFFF;
	_ =	strace $0x9FFFFFFF  }
0x40: {  	(tm) =	ssettm $0x7FFFFFFF  }
0x41: {  	_ =	shalt  }
tec
execute0_lowered:
.L_overlay_start_1:
0x0: {  	(tag) =	ssettag $0x1  }
0x1: {  	s4 =	rddreg [dreg:$0x0]  }
0x2: {  	s0 =	srdreg.scid;
	s2 =	rddreg [dreg:$0x1]  }
0x3: {  	s1 =	stileid.u32;
	s5 =	simm.s32 $0x1;
	s0 =	sshll.u32 s0, $0x4  }
0x4: {  	s7 =	simm.s32 $0x2;
	s11 =	simm.s32 $0x0;
	s3 =	sand.u32 $0x10, s0  }
.Ltmp0:
0x5: {  	p0 =	por $0x0, $0x0;
	s3 =	sor.u32 s1, s3;
	(pc) =	sbr.rel .LBB1_1-.Ltmp0, $4  }
0x6: {  	s8 =	simm.s32 $0x7A1400;
	s10 =	simm.s32 $0x0;
	s3 =	sshll.u32 s3, $0x7  }
0x7: {  	s0 =	rddreg [dreg:$0x2];
	_ =	strace $0x8000004D;
	s6 =	ssub.s32 $0xF4200, s3  }
0x8: {  	s4 =	sadd.s32 $0x1800, s4;
	[sflag:s5] =	ssyncpa.u1 $0x0;
	s6 =	sshrl.u32 s6, $0xC  }
0x9: {  	[sflag:s7] =	ssyncpa.u1 $0x0;
	s9 =	smov.u32 s3;
	s7 =	sadd.s32 $0x2, s6  }
.LBB1_5:
0xa: {  	s13 =	sadd.s32 $0x1000, s9  }
0xb: {  	p2 =	sgt.s32 s13, $0xF423F  }
0xc: {  	s13 =	smov.u32 @p2 s3;
	p2 =	sne.s32 s10, s7  }
.Ltmp1:
0xd: {  	p1 =	slt.u32 s10, $0x2;
	(pc) =	sbr.rel @!p2 .LBB1_6-.Ltmp1, $4  }
0xe: {  	s12 =	simm.s32 @!p1 $0x2  }
0xf: {  	s14 =	sadd.s32 $0x1, s10;
	_ =	swait.ge @!p1 [sflag:s12], $0x1000  }
0x10: {  	s11 =	smov.u32 s9;
	p0 =	por !p0, !p0;
	[sflag:s12] =	ssyncset.done @!p1 $0x0  }
0x11: {  	s10 =	smov.u32 s14;
	s9 =	smov.u32 s13;
	[sflag:s12] =	ssyncadd.s32 @!p1 $0xFFFFF000  }
.LBB1_1:
0x12: {  	p1 =	sgt.u32 s10, s6  }
0x13: {  	s13 =	smov.u32 s9;
	p2 =	sgt.s32 @!p1 s9, $0xF41C0  }
0x14: {  	s12 =	sand.u32 @!p1 $0x1FFFFFF, s9;
	s14 =	sshra.s32 @!p1 s9, $0x1F;
	p2 =	por !p2, p1  }
0x15: {  	s15 =	smulhi.u32 @!p1 $0x218DEF5, s12;
	s14 =	sand.u32 @!p1 s14, s9;
	s13 =	simm.s32 @p2 $0xF41C0  }
0x16: {  	s13 =	ssub.s32 @!p1 s13, s14  }
0x17: {  	s14 =	sshrl.u32 @!p1 s15, $0xD;
	s13 =	sadd.s32 @!p1 $0xFFF0BE40, s13  }
0x18: {  	s15 =	sxor.u32 @!p1 $0xFFFFFFFF, s10;
	s14 =	smul.u32 @!p1 $0xF4240, s14;
	s16 =	sshll.u32 @!p1 s13, $0x7  }
0x19: {  	s15 =	sshll.u32 @!p1 s15, $0xC;
	p2 =	sgt.s32 @!p1 s13, $0x7F;
	s13 =	ssub.s32 @!p1 $0x4000, s16  }
0x1a: {  	s12 =	ssub.s32 @!p1 s12, s14;
	p2 =	por !p2, p1;
	s14 =	sand.u32 @!p1 $0x1000, s15  }
0x1b: {  	s15 =	simm.s32 @!p1 $0x20;
	s13 =	sshrl.u32 @!p1 s13, $0x2;
	s12 =	sshll.u32 @!p1 s12, $0x4  }
0x1c: {  	s16 =	simm.s32 @!p1 $0x80;
	s13 =	simm.s32 @!p2 $0x0;
	s12 =	sadd.s32 @!p1 s4, s12  }
0x1d: {  	[tilespmem:s14], [sflag:$0x1] =	stream.strided.gather @!p1 [hbm4b:s12+s15], s13, s16, s15, $0x38;
	[tilespmem:$0x4040] =	vst v63  }
0x1e: {  	p1 =	seq.s32 s10, $0x0  }
0x1f: {  	p2 =	sge.u32 @!p1 s10, s7  }
0x20: {  	p1 =	por p1, p2  }
.Ltmp2:
0x21: {  	_ = 	snop;
	(pc) =	sbr.rel @p1 .LBB1_5-.Ltmp2, $1  }
0x22: {  	_ =	sdelay $0x3  }
0x23: {  	p1 =	sgt.s32 s11, $0xF41C0;
	s12 =	smov.u32 s11;
	s13 =	sshra.s32 s11, $0x1F  }
0x24: {  	s12 =	simm.s32 @!p1 $0xF41C0;
	s13 =	sand.u32 s13, s11  }
0x25: {  	s12 =	ssub.s32 s12, s13  }
0x26: {  	s12 =	sadd.s32 $0xFFF0BE40, s12  }
0x27: {  	s28 =	sshll.u32 s12, $0x7  }
0x28: {  	s13 =	ssub.s32 $0x4000, s28  }
0x29: {  	p1 =	sgt.s32 s12, $0x7F;
	s12 =	sshrl.u32 s13, $0x2  }
0x2a: {  	s13 =	simm.s32 $0x1;
	s12 =	simm.s32 @p1 $0x0  }
0x2b: {  	s13 =	simm.s32 @!p0 $0x0;
	_ =	swait.ge [sflag:s5], s12  }
0x2c: {  	s14 =	sshll.u32 s13, $0xC;
	s12 =	ssub.s32 $0x0, s12;
	[sflag:s5] =	ssyncset.done $0x0  }
0x2d: {  	s16 =	sor.u32 $0x10, s14;
	[sflag:s5] =	ssyncadd.s32 s12  }
0x2e: {  	s29 =	smul.u32 $0x4080, s13;
	v1 =	vld [tilespmem:s16+$0x0]  }
0x2f: {  	s30 =	sand.u32 $0x1, s10;
	v0 =	vld [tilespmem:s16+$0xFFFFFFF0]  }
0x30: {  	s13 =	smul.u32 $0x4080, s30;
	s12 =	sshrl.u32 s29, $0x2  }
0x31: {  	s14 =	sor.u32 $0x2000, s12  }
0x32: {  	s31 =	sshrl.u32 s13, $0x2;
	s13 =	sadd.s32 $0x0, s14  }
0x33: {  	s15 =	simm.s32 $0x4;
	s12 =	sor.u32 $0x2000, s31;
	s16 =	sadd.s32 $0x20, s16;
	[tilespmem:s13+$0x810 ss:$0x81] =	vst.msk $0xffff, v1  }
.LBB1_3:
0x34: {  	v1 =	vld [tilespmem:s16+$0x0];
	p1 =	sne.s32 s15, $0x1FC;
	[tilespmem:s13+$0x0 ss:$0x81] =	vst.msk $0xffff, v0;
	s13 =	smov.u32 s15;
	s15 =	sadd.s32 $0x4, s15  }
.Ltmp3:
0x35: {  	v0 =	vld [tilespmem:s16+$0xFFFFFFF0];
	(pc) =	sbr.rel @p1 .LBB1_3-.Ltmp3, $4  }
0x36: {  	_ = 	snop  }
0x37: {  	s13 =	sshra.s32 s13, $0x2  }
0x38: {  	s13 =	sadd.s32 s13, s14  }
0x39: {  	s16 =	sadd.s32 $0x20, s16;
	[tilespmem:s13+$0x810 ss:$0x81] =	vst.msk $0xffff, v1  }
0x3a: {  	s14 =	sshll.u32 s11, $0x3  }
0x3b: {  	s30 =	sand.u32 $0x7F, s11;
	s14 =	sand.u32 $0xFFFFFC00, s14  }
0x3c: {  	s11 =	sor.u32 s30, s14  }
0x3d: {  	s15 =	smulhi.u32 $0x218D6287, s11;
	_ =	sdelay $0x1  }
0x3e: {  	s14 =	smulhi.u32 $0x218D6287, s14;
	s15 =	sshrl.u32 s15, $0x11  }
0x3f: {  	s15 =	smul.u32 $0xF4280, s15  }
0x40: {  	s14 =	sshrl.u32 s14, $0x11  }
.Ltmp4:
0x41: {  	s14 =	sand.u32 $0x1F, s14;
	s11 =	ssub.s32 s11, s15;
	(pc) =	sbr.rel .LBB1_5-.Ltmp4, $4  }
0x42: {  	s14 =	smul.u32 $0x1E850, s14;
	s15 =	sshrl.u32 s11, $0x3;
	s11 =	sand.u32 $0x7, s11  }
0x43: {  	s15 =	sadd.s32 s2, s15;
	s11 =	sshll.u32 s11, $0x12  }
0x44: {  	[tilespmem:s13+$0x0 ss:$0x81] =	vst.msk $0xffff, v0;
	s31 =	sadd.s32 s14, s15;
	s11 =	sor.u32 $0x400, s11  }
0x45: {  	[hbm4b:s31+s11] =	stream.strided.scatter [tilespmem:s12], [sflag:$0x2], $0x1000, s8, s11, $0x20;
	[tilespmem:$0x4040] =	vst v63  }
.LBB1_6:
0x46: {  	_ =	sfence.sel $0x180000  }
0x47: {  	s2 =	simm.s32 $0x1;
	[bflag:$0x0] =	sbarrier.arrive $0xFFFF  }
0x48: {  	s31 =	simm.s32 $0x2;
	[sflag:s2] =	ssyncpa.u1 $0x1  }
0x49: {  	[sflag:s31] =	ssyncpa.u1 $0x1  }
0x4a: {  	p0 =	sne.s32 s1, $0x0;
	_ =	strace $0x9000004D  }
0x4b: {  	s0 =	sadd.s32 @!p0 $0x100000, s0;
	[bflag:$0x2] =	sbarrier.arrive $0xFFFF  }
0x4c: {  	[sflag:s0] =	ssyncadd.tile.s32 @!p0 $0x1;
	_ =	shalt  }
.Lfunc_end1:
_tile_overlayer_lowered:
.L_overlay_start_2:
0x4d: {  	(tag) =	ssettag $0x2  }
0x4e: {  	s0 =	rddreg [dreg:$0x0];
	s2 =	stileid.u32  }
0x4f: {  	s1 =	rddreg [dreg:$0x1];
	p0 =	sne.s32 s2, $0x0  }
0x50: {  	s3 =	rddreg [dreg:$0x2];
	[bflag:$0x3] =	sbarrier.arrive $0xFFFF;
	s2 =	simm.s32 @!p0 $0x1C01  }
0x51: {  	[timem:s3], [sflag:s2] =	dma.local @!p0 [hbm:s0], s1  }
0x52: {  	s0 =	simm.s32 @!p0 $0x1  }
0x53: {  	_ =	swait.ge @!p0 [sflag:s0], s1  }
0x54: {  	s1 =	ssub.s32 @!p0 $0x0, s1;
	[sflag:s0] =	ssyncset.done @!p0 $0x0  }
0x55: {  	[sflag:s0] =	ssyncadd.s32 @!p0 s1  }
0x56: {  	[bflag:$0x3] =	sbarrier.arrive $0xFFFF  }
0x57: {  	_ =	shalt  }

</sc_bundles>
